<compile_context>
chip_gen: v7x
topology: tpu7x:2x2x1
jax: 0.10.2.dev20260603
libtpu: 0.0.44.dev20260713+nightly
codegen_flags: <defaults>
</compile_context>

<pallas_src>
import functools

import jax
import jax.numpy as jnp
from jax import lax
from jax.experimental import pallas as pl
from jax.experimental.pallas import tpu as pltpu
from jax.experimental.pallas import tpu_sc as plsc

DIM = 64
PAD = 128
LANES = 16

N1 = 3125
N2 = 97
N3 = 3
VSLAB = 208
VPAD = 3328
N1TAIL = N1 - 15 * VSLAB
P0SLICE = 6256
P0LAST = 6160

_params = pltpu.CompilerParams(
    use_tc_tiling_on_sc=False, needs_layout_passes=False)


def _upper_kernel(B, bpw, NC, NS):
    mesh = plsc.VectorSubcoreMesh(core_axis_name="c", subcore_axis_name="s")

    @functools.partial(
        pl.kernel,
        mesh=mesh,
        compiler_params=_params,
        out_type=jax.ShapeDtypeStruct((B, DIM), jnp.float32),
        scratch_types=[
            pltpu.VMEM((bpw,), jnp.int32),
            pltpu.VMEM((bpw,), jnp.int32),
            pltpu.VMEM((bpw, DIM), jnp.float32),
            pltpu.VMEM((VSLAB, DIM), jnp.float32),
            pltpu.VMEM((VSLAB, DIM), jnp.float32),
            pltpu.VMEM((VSLAB, DIM), jnp.float32),
            pltpu.VMEM((VPAD,), jnp.int32),
            pltpu.VMEM((VSLAB,), jnp.int32),
            pltpu.VMEM((VSLAB,), jnp.int32),
            pltpu.VMEM_SHARED((NS * P0SLICE,), jnp.int32),
            pltpu.VMEM_SHARED((VPAD, DIM), jnp.float32),
            pltpu.VMEM_SHARED((N2,), jnp.int32),
            pltpu.VMEM_SHARED((N2, DIM), jnp.float32),
            pltpu.VMEM_SHARED((N3, DIM), jnp.float32),
            pltpu.SemaphoreType.DMA,
        ],
    )
    def ka(idx_hbm, t1, t2, t3, p0, p1, p2, out_hbm,
           i0, i1, bufu, t1slab, t2rows, t3rows, p1full, j3buf, ident,
           p0s, u1s, p2s, t2s, t3s, sem):
        c = lax.axis_index("c")
        s = lax.axis_index("s")
        base = (s * NC + c) * bpw
        vbase = s * VSLAB
        lanes = lax.iota(jnp.int32, LANES)

        with jax.named_scope("ph_idx"):
            pltpu.sync_copy(idx_hbm.at[pl.ds(base, bpw)], i0)

        with jax.named_scope("ph_stage"):
            sbase = s * P0SLICE

            @pl.when(s < NS - 1)
            def _():
                pltpu.sync_copy(p0.at[pl.ds(sbase, P0SLICE)],
                                p0s.at[pl.ds(sbase, P0SLICE)])
                pltpu.sync_copy(t1.at[pl.ds(vbase, VSLAB)], t1slab)

            @pl.when(s == NS - 1)
            def _():
                pltpu.sync_copy(p0.at[pl.ds(sbase, P0LAST)],
                                p0s.at[pl.ds(sbase, P0LAST)])
                pltpu.sync_copy(t1.at[pl.ds(15 * VSLAB, N1TAIL)],
                                t1slab.at[pl.ds(0, N1TAIL)])

            pltpu.sync_copy(p1, p1full.at[pl.ds(0, N1)])

            @pl.when(s == 0)
            def _():
                pltpu.sync_copy(p2, p2s)
                pltpu.sync_copy(t2, t2s)
                pltpu.sync_copy(t3, t3s)

        with jax.named_scope("ph_prep"):
            for g in range(VSLAB // LANES):
                d = pl.ds(g * LANES, LANES)
                v = p1full[pl.ds(vbase + g * LANES, LANES)]
                p1full[pl.ds(vbase + g * LANES, LANES)] = (
                    jnp.minimum(jnp.maximum(v, 0), N2 - 1))
                ident[d] = vbase + g * LANES + lanes

        with jax.named_scope("ph_barrier1"):
            plsc.subcore_barrier()

        with jax.named_scope("ph_build"):
            myp1 = p1full.at[pl.ds(vbase, VSLAB)]
            pltpu.async_copy(p2s.at[myp1], j3buf, sem).wait()
            for g in range(VSLAB // LANES):
                d = pl.ds(g * LANES, LANES)
                j3 = j3buf[d]
                j3buf[d] = jnp.minimum(jnp.maximum(j3, 0), N3 - 1)
            c_a = pltpu.async_copy(t2s.at[myp1], t2rows, sem)
            c_b = pltpu.async_copy(t3s.at[j3buf], t3rows, sem)
            c_a.wait()
            c_b.wait()
            pltpu.sync_copy(t1slab, u1s.at[pl.ds(vbase, VSLAB)])
            pltpu.sync_copy(t2rows, u1s.at[ident], add=True)
            pltpu.sync_copy(t3rows, u1s.at[ident], add=True)

        with jax.named_scope("ph_barrier2"):
            plsc.subcore_barrier()

        with jax.named_scope("ph_chain"):
            pltpu.async_copy(p0s.at[i0], i1, sem).wait()
            pltpu.async_copy(u1s.at[i1], bufu, sem).wait()

        with jax.named_scope("ph_outA"):
            pltpu.sync_copy(bufu, out_hbm.at[pl.ds(base, bpw)])

    return ka


def _leaf_kernel(B, bpw, NC):
    mesh = plsc.VectorSubcoreMesh(core_axis_name="c", subcore_axis_name="s")

    @functools.partial(
        pl.kernel,
        mesh=mesh,
        compiler_params=_params,
        out_type=jax.ShapeDtypeStruct((B, DIM), jnp.float32),
        scratch_types=[
            pltpu.VMEM((bpw,), jnp.int32),
            pltpu.VMEM((bpw, PAD), jnp.float32),
            pltpu.VMEM((bpw, DIM), jnp.float32),
            pltpu.SemaphoreType.DMA,
        ],
    )
    def kb(idx_hbm, t0, part_hbm, out_hbm, i0, buf0, bufu, sem):
        c = lax.axis_index("c")
        s = lax.axis_index("s")
        base = (s * NC + c) * bpw

        with jax.named_scope("ph_idxB"):
            pltpu.sync_copy(idx_hbm.at[pl.ds(base, bpw)], i0)
        with jax.named_scope("ph_t0"):
            c_t0 = pltpu.async_copy(t0.at[i0], buf0, sem)
            pltpu.sync_copy(part_hbm.at[pl.ds(base, bpw)], bufu)
            c_t0.wait()

        with jax.named_scope("ph_acc"):
            def row(r, _):
                for j in range(DIM // LANES):
                    d = pl.ds(j * LANES, LANES)
                    bufu[r, d] = bufu[r, d] + buf0[r, d]
                return 0

            lax.fori_loop(0, bpw, row, 0, unroll=2)

        with jax.named_scope("ph_outB"):
            pltpu.sync_copy(bufu, out_hbm.at[pl.ds(base, bpw)])

    return kb


def kernel(idx, T0, T1, T2, T3, P0, P1, P2):
    B = idx.shape[0]
    info = plsc.get_sparse_core_info()
    NC = info.num_cores
    NS = info.num_subcores
    bpw = B // (NC * NS)
    idx32 = idx.astype(jnp.int32)
    ka = _upper_kernel(B, bpw, NC, NS)
    kb = _leaf_kernel(B, bpw, NC)
    T0p = jnp.pad(T0, ((0, 0), (0, PAD - DIM)))
    part = ka(idx32, T1, T2, T3, P0, P1, P2)
    return kb(idx32, T0p, part)

# --- scband reference (transcript-rebuilt; emitter-appended) ---
"""Pipeline reference for scband-latent-tree-83897891160224 (READ-ONLY COPY).

The authoritative reference and input builder live on the scoring server;
editing this copy changes nothing except your own understanding.
"""

import jax, jax.numpy as jnp
import numpy as np

VOCAB = 100000
DIM = 64
DEG = 32
BATCH = 4096
# tree level sizes produced by create_tree_ with node_degree=32:
# level0 table: 100000 rows, parents -> 3125
# level1 table: 3125 rows,   parents -> 97
# level2 table: 97 rows,     parents -> 3
# level3 table: 3 rows (root residual)
SIZES = [100000, 3125, 97, 3]


def setup_inputs(seed: int = 0) -> dict:
    key = jax.random.key(seed)
    ks = jax.random.split(key, 8)
    idx = jax.random.randint(ks[0], (BATCH,), 0, VOCAB, dtype=jnp.int64 if jax.config.jax_enable_x64 else jnp.int32)
    T0 = jax.random.normal(ks[1], (SIZES[0], DIM), dtype=jnp.float32)
    T1 = jax.random.normal(ks[2], (SIZES[1], DIM), dtype=jnp.float32)
    T2 = jax.random.normal(ks[3], (SIZES[2], DIM), dtype=jnp.float32)
    T3 = jax.random.normal(ks[4], (SIZES[3], DIM), dtype=jnp.float32)
    P0 = jax.random.randint(ks[5], (SIZES[0],), 0, SIZES[1], dtype=jnp.int32)
    P1 = jax.random.randint(ks[6], (SIZES[1],), 0, SIZES[2], dtype=jnp.int32)
    P2 = jax.random.randint(ks[7], (SIZES[2],), 0, SIZES[3], dtype=jnp.int32)
    return {"idx": idx, "T0": T0, "T1": T1, "T2": T2, "T3": T3, "P0": P0, "P1": P1, "P2": P2}


def reference(idx, T0, T1, T2, T3, P0, P1, P2):
    # LatentTree.node_sum_: sum residual embeddings along the path from leaf to root.
    lat = jnp.take(T0, idx, axis=0)
    i1 = jnp.take(P0, idx, axis=0)
    lat = lat + jnp.take(T1, i1, axis=0)
    i2 = jnp.take(P1, i1, axis=0)
    lat = lat + jnp.take(T2, i2, axis=0)
    i3 = jnp.take(P2, i2, axis=0)
    lat = lat + jnp.take(T3, i3, axis=0)
    return lat

if __name__ == "__main__":
    import jax
    _d = setup_inputs()
    print(jax.jit(kernel)(*tuple(_d.values())))

</pallas_src>

<mosaic_0001>
#map = affine_map<(d0, d1) -> (0)>
#map1 = affine_map<(d0, d1) -> (0, 0)>
module attributes {stable_mosaic.version = 14 : i64} {
  func.func @kb(%arg0: i32, %arg1: i32, %arg2: memref<4096xi32, #tpu.memory_space<hbm>>, %arg3: memref<100000x128xf32, #tpu.memory_space<hbm>>, %arg4: memref<4096x64xf32, #tpu.memory_space<hbm>>, %arg5: memref<4096x64xf32, #tpu.memory_space<hbm>>, %arg6: memref<128xi32, #tpu.memory_space<vmem>>, %arg7: memref<128x128xf32, #tpu.memory_space<vmem>>, %arg8: memref<128x64xf32, #tpu.memory_space<vmem>>, %arg9: memref<!tpu.dma_semaphore, #tpu.memory_space<semaphore_mem>>) attributes {dimension_semantics = [#tpu.dimension_semantics<core_parallel>, #tpu.dimension_semantics<subcore_parallel>], iteration_bounds = array<i64: 2, 16>, scalar_prefetch = 0 : i64, scratch_operands = 4 : i64, tpu.core_type = #tpu.core_type<sc_vector_subcore>, window_params = [{transform_indices = #map}, {transform_indices = #map1}, {transform_indices = #map1}, {transform_indices = #map1}]} {
    %mul3A = arith.constant 2 : i32
    %mul3A_0 = arith.muli %arg1, %mul3A : i32
    %add3A = arith.addi %mul3A_0, %arg0 : i32
    %mul3A_1 = arith.constant 128 : i32
    %mul3A_2 = arith.muli %add3A, %mul3A_1 : i32
    "tpu.trace_start"() <{level = 10 : i32, message = "ph_idxB"}> : () -> ()
    "tpu.region"() ({
      %run_scoped3A = tpu.sem_alloc : memref<!tpu.dma_semaphore, #tpu.memory_space<semaphore_mem>>
      %dma_start3A_13 = tpu.memref_slice %arg2[%mul3A_2] : memref<4096xi32, #tpu.memory_space<hbm>> -> memref<128xi32, #tpu.memory_space<hbm>>
      %dma_start3A_14 = tpu.memref_slice %arg2[%mul3A_2] : memref<4096xi32, #tpu.memory_space<hbm>> -> memref<128xi32, #tpu.memory_space<hbm>>
      tpu.enqueue_dma source(%dma_start3A_14 : memref<128xi32, #tpu.memory_space<hbm>>) target(%arg6 : memref<128xi32, #tpu.memory_space<vmem>>) target_semaphore(%run_scoped3A : memref<!tpu.dma_semaphore, #tpu.memory_space<semaphore_mem>>)
      %dma_wait3A_15 = tpu.memref_slice %arg2[%mul3A_2] : memref<4096xi32, #tpu.memory_space<hbm>> -> memref<128xi32, #tpu.memory_space<hbm>>
      %dma_wait3A_16 = tpu.memref_slice %arg2[%mul3A_2] : memref<4096xi32, #tpu.memory_space<hbm>> -> memref<128xi32, #tpu.memory_space<hbm>>
      tpu.wait_dma2 semaphore(%run_scoped3A : memref<!tpu.dma_semaphore, #tpu.memory_space<semaphore_mem>>) src(%dma_wait3A_16 : memref<128xi32, #tpu.memory_space<hbm>>) dst(%arg6 : memref<128xi32, #tpu.memory_space<vmem>>)
      tpu.yield
    }) : () -> ()
    "tpu.trace_stop"() : () -> ()
    "tpu.trace_start"() <{level = 10 : i32, message = "ph_t0"}> : () -> ()
    %dma_start3A = arith.constant 0 : i32
    %dma_start3A_3 = arith.constant 0 : i32
    %dma_start3A_4 = tpu.memref_slice %arg3[%dma_start3A, %dma_start3A_3] : memref<100000x128xf32, #tpu.memory_space<hbm>> -> memref<100000x128xf32, #tpu.memory_space<hbm>>
    tpu.enqueue_indirect_dma source(%dma_start3A_4 : memref<100000x128xf32, #tpu.memory_space<hbm>>) target(%arg7 : memref<128x128xf32, #tpu.memory_space<vmem>>) offsets(%arg6 : memref<128xi32, #tpu.memory_space<vmem>>) semaphore(%arg9 : memref<!tpu.dma_semaphore, #tpu.memory_space<semaphore_mem>>)
    "tpu.region"() ({
      %run_scoped3A = tpu.sem_alloc : memref<!tpu.dma_semaphore, #tpu.memory_space<semaphore_mem>>
      %dma_start3A_13 = arith.constant 0 : i32
      %dma_start3A_14 = tpu.memref_slice %arg4[%mul3A_2, %dma_start3A_13] : memref<4096x64xf32, #tpu.memory_space<hbm>> -> memref<128x64xf32, #tpu.memory_space<hbm>>
      %dma_start3A_15 = arith.constant 0 : i32
      %dma_start3A_16 = tpu.memref_slice %arg4[%mul3A_2, %dma_start3A_15] : memref<4096x64xf32, #tpu.memory_space<hbm>> -> memref<128x64xf32, #tpu.memory_space<hbm>>
      tpu.enqueue_dma source(%dma_start3A_16 : memref<128x64xf32, #tpu.memory_space<hbm>>) target(%arg8 : memref<128x64xf32, #tpu.memory_space<vmem>>) target_semaphore(%run_scoped3A : memref<!tpu.dma_semaphore, #tpu.memory_space<semaphore_mem>>)
      %dma_wait3A_17 = arith.constant 0 : i32
      %dma_wait3A_18 = tpu.memref_slice %arg4[%mul3A_2, %dma_wait3A_17] : memref<4096x64xf32, #tpu.memory_space<hbm>> -> memref<128x64xf32, #tpu.memory_space<hbm>>
      %dma_wait3A_19 = arith.constant 0 : i32
      %dma_wait3A_20 = tpu.memref_slice %arg4[%mul3A_2, %dma_wait3A_19] : memref<4096x64xf32, #tpu.memory_space<hbm>> -> memref<128x64xf32, #tpu.memory_space<hbm>>
      tpu.wait_dma2 semaphore(%run_scoped3A : memref<!tpu.dma_semaphore, #tpu.memory_space<semaphore_mem>>) src(%dma_wait3A_20 : memref<128x64xf32, #tpu.memory_space<hbm>>) dst(%arg8 : memref<128x64xf32, #tpu.memory_space<vmem>>)
      tpu.yield
    }) : () -> ()
    %dma_wait3A = arith.constant 0 : i32
    %dma_wait3A_5 = arith.constant 0 : i32
    %dma_wait3A_6 = tpu.memref_slice %arg3[%dma_wait3A, %dma_wait3A_5] : memref<100000x128xf32, #tpu.memory_space<hbm>> -> memref<100000x128xf32, #tpu.memory_space<hbm>>
    tpu.wait_indirect_dma semaphore(%arg9 : memref<!tpu.dma_semaphore, #tpu.memory_space<semaphore_mem>>) src(%dma_wait3A_6 : memref<100000x128xf32, #tpu.memory_space<hbm>>) dst(%arg7 : memref<128x128xf32, #tpu.memory_space<vmem>>)
    "tpu.trace_stop"() : () -> ()
    "tpu.trace_start"() <{level = 10 : i32, message = "ph_acc"}> : () -> ()
    %scan3A = arith.constant 0 : i32
    %scan3A_7 = arith.constant 0 : i32
    %scan3A_8 = arith.constant 128 : i32
    %scan3A_9 = arith.addi %scan3A_7, %scan3A_8 : i32
    %scan3A_10 = arith.constant 2 : i32
    %scan3A_11 = scf.for %scan3A_13 = %scan3A_7 to %scan3A_9 step %scan3A_10 iter_args(%scan3A_14 = %scan3A) -> (i32)  : i32 {
      %get3A = arith.index_cast %scan3A_13 : i32 to index
      %get3A_15 = arith.constant 0 : index
      %get3A_16 = tpu.vector_load %arg8[%get3A, %get3A_15] {strides = array<i32>} : memref<128x64xf32, #tpu.memory_space<vmem>>, vector<16xf32>,
      %get3A_17 = arith.index_cast %scan3A_13 : i32 to index
      %get3A_18 = arith.constant 0 : index
      %get3A_19 = tpu.vector_load %arg7[%get3A_17, %get3A_18] {strides = array<i32>} : memref<128x128xf32, #tpu.memory_space<vmem>>, vector<16xf32>,
      %add3A_20 = arith.addf %get3A_16, %get3A_19 : vector<16xf32>
      %swap3A = arith.index_cast %scan3A_13 : i32 to index
      %swap3A_21 = arith.constant 0 : index
      %swap3A_22 = tpu.vector_load %arg8[%swap3A, %swap3A_21] {strides = array<i32>} : memref<128x64xf32, #tpu.memory_space<vmem>>, vector<16xf32>,
      tpu.vector_store %arg8[%swap3A, %swap3A_21], %add3A_20 {strides = array<i32>} : memref<128x64xf32, #tpu.memory_space<vmem>>, vector<16xf32>,
      %get3A_23 = arith.index_cast %scan3A_13 : i32 to index
      %get3A_24 = arith.constant 16 : index
      %get3A_25 = tpu.vector_load %arg8[%get3A_23, %get3A_24] {strides = array<i32>} : memref<128x64xf32, #tpu.memory_space<vmem>>, vector<16xf32>,
      %get3A_26 = arith.index_cast %scan3A_13 : i32 to index
      %get3A_27 = arith.constant 16 : index
      %get3A_28 = tpu.vector_load %arg7[%get3A_26, %get3A_27] {strides = array<i32>} : memref<128x128xf32, #tpu.memory_space<vmem>>, vector<16xf32>,
      %add3A_29 = arith.addf %get3A_25, %get3A_28 : vector<16xf32>
      %swap3A_30 = arith.index_cast %scan3A_13 : i32 to index
      %swap3A_31 = arith.constant 16 : index
      %swap3A_32 = tpu.vector_load %arg8[%swap3A_30, %swap3A_31] {strides = array<i32>} : memref<128x64xf32, #tpu.memory_space<vmem>>, vector<16xf32>,
      tpu.vector_store %arg8[%swap3A_30, %swap3A_31], %add3A_29 {strides = array<i32>} : memref<128x64xf32, #tpu.memory_space<vmem>>, vector<16xf32>,
      %get3A_33 = arith.index_cast %scan3A_13 : i32 to index
      %get3A_34 = arith.constant 32 : index
      %get3A_35 = tpu.vector_load %arg8[%get3A_33, %get3A_34] {strides = array<i32>} : memref<128x64xf32, #tpu.memory_space<vmem>>, vector<16xf32>,
      %get3A_36 = arith.index_cast %scan3A_13 : i32 to index
      %get3A_37 = arith.constant 32 : index
      %get3A_38 = tpu.vector_load %arg7[%get3A_36, %get3A_37] {strides = array<i32>} : memref<128x128xf32, #tpu.memory_space<vmem>>, vector<16xf32>,
      %add3A_39 = arith.addf %get3A_35, %get3A_38 : vector<16xf32>
      %swap3A_40 = arith.index_cast %scan3A_13 : i32 to index
      %swap3A_41 = arith.constant 32 : index
      %swap3A_42 = tpu.vector_load %arg8[%swap3A_40, %swap3A_41] {strides = array<i32>} : memref<128x64xf32, #tpu.memory_space<vmem>>, vector<16xf32>,
      tpu.vector_store %arg8[%swap3A_40, %swap3A_41], %add3A_39 {strides = array<i32>} : memref<128x64xf32, #tpu.memory_space<vmem>>, vector<16xf32>,
      %get3A_43 = arith.index_cast %scan3A_13 : i32 to index
      %get3A_44 = arith.constant 48 : index
      %get3A_45 = tpu.vector_load %arg8[%get3A_43, %get3A_44] {strides = array<i32>} : memref<128x64xf32, #tpu.memory_space<vmem>>, vector<16xf32>,
      %get3A_46 = arith.index_cast %scan3A_13 : i32 to index
      %get3A_47 = arith.constant 48 : index
      %get3A_48 = tpu.vector_load %arg7[%get3A_46, %get3A_47] {strides = array<i32>} : memref<128x128xf32, #tpu.memory_space<vmem>>, vector<16xf32>,
      %add3A_49 = arith.addf %get3A_45, %get3A_48 : vector<16xf32>
      %swap3A_50 = arith.index_cast %scan3A_13 : i32 to index
      %swap3A_51 = arith.constant 48 : index
      %swap3A_52 = tpu.vector_load %arg8[%swap3A_50, %swap3A_51] {strides = array<i32>} : memref<128x64xf32, #tpu.memory_space<vmem>>, vector<16xf32>,
      tpu.vector_store %arg8[%swap3A_50, %swap3A_51], %add3A_49 {strides = array<i32>} : memref<128x64xf32, #tpu.memory_space<vmem>>, vector<16xf32>,
      %scan3A_53 = arith.constant 0 : i32
      %scan3A_54 = arith.constant 1 : i32
      %scan3A_55 = arith.addi %scan3A_13, %scan3A_54 : i32
      %get3A_56 = arith.index_cast %scan3A_55 : i32 to index
      %get3A_57 = arith.constant 0 : index
      %get3A_58 = tpu.vector_load %arg8[%get3A_56, %get3A_57] {strides = array<i32>} : memref<128x64xf32, #tpu.memory_space<vmem>>, vector<16xf32>,
      %get3A_59 = arith.index_cast %scan3A_55 : i32 to index
      %get3A_60 = arith.constant 0 : index
      %get3A_61 = tpu.vector_load %arg7[%get3A_59, %get3A_60] {strides = array<i32>} : memref<128x128xf32, #tpu.memory_space<vmem>>, vector<16xf32>,
      %add3A_62 = arith.addf %get3A_58, %get3A_61 : vector<16xf32>
      %swap3A_63 = arith.index_cast %scan3A_55 : i32 to index
      %swap3A_64 = arith.constant 0 : index
      %swap3A_65 = tpu.vector_load %arg8[%swap3A_63, %swap3A_64] {strides = array<i32>} : memref<128x64xf32, #tpu.memory_space<vmem>>, vector<16xf32>,
      tpu.vector_store %arg8[%swap3A_63, %swap3A_64], %add3A_62 {strides = array<i32>} : memref<128x64xf32, #tpu.memory_space<vmem>>, vector<16xf32>,
      %get3A_66 = arith.index_cast %scan3A_55 : i32 to index
      %get3A_67 = arith.constant 16 : index
      %get3A_68 = tpu.vector_load %arg8[%get3A_66, %get3A_67] {strides = array<i32>} : memref<128x64xf32, #tpu.memory_space<vmem>>, vector<16xf32>,
      %get3A_69 = arith.index_cast %scan3A_55 : i32 to index
      %get3A_70 = arith.constant 16 : index
      %get3A_71 = tpu.vector_load %arg7[%get3A_69, %get3A_70] {strides = array<i32>} : memref<128x128xf32, #tpu.memory_space<vmem>>, vector<16xf32>,
      %add3A_72 = arith.addf %get3A_68, %get3A_71 : vector<16xf32>
      %swap3A_73 = arith.index_cast %scan3A_55 : i32 to index
      %swap3A_74 = arith.constant 16 : index
      %swap3A_75 = tpu.vector_load %arg8[%swap3A_73, %swap3A_74] {strides = array<i32>} : memref<128x64xf32, #tpu.memory_space<vmem>>, vector<16xf32>,
      tpu.vector_store %arg8[%swap3A_73, %swap3A_74], %add3A_72 {strides = array<i32>} : memref<128x64xf32, #tpu.memory_space<vmem>>, vector<16xf32>,
      %get3A_76 = arith.index_cast %scan3A_55 : i32 to index
      %get3A_77 = arith.constant 32 : index
      %get3A_78 = tpu.vector_load %arg8[%get3A_76, %get3A_77] {strides = array<i32>} : memref<128x64xf32, #tpu.memory_space<vmem>>, vector<16xf32>,
      %get3A_79 = arith.index_cast %scan3A_55 : i32 to index
      %get3A_80 = arith.constant 32 : index
      %get3A_81 = tpu.vector_load %arg7[%get3A_79, %get3A_80] {strides = array<i32>} : memref<128x128xf32, #tpu.memory_space<vmem>>, vector<16xf32>,
      %add3A_82 = arith.addf %get3A_78, %get3A_81 : vector<16xf32>
      %swap3A_83 = arith.index_cast %scan3A_55 : i32 to index
      %swap3A_84 = arith.constant 32 : index
      %swap3A_85 = tpu.vector_load %arg8[%swap3A_83, %swap3A_84] {strides = array<i32>} : memref<128x64xf32, #tpu.memory_space<vmem>>, vector<16xf32>,
      tpu.vector_store %arg8[%swap3A_83, %swap3A_84], %add3A_82 {strides = array<i32>} : memref<128x64xf32, #tpu.memory_space<vmem>>, vector<16xf32>,
      %get3A_86 = arith.index_cast %scan3A_55 : i32 to index
      %get3A_87 = arith.constant 48 : index
      %get3A_88 = tpu.vector_load %arg8[%get3A_86, %get3A_87] {strides = array<i32>} : memref<128x64xf32, #tpu.memory_space<vmem>>, vector<16xf32>,
      %get3A_89 = arith.index_cast %scan3A_55 : i32 to index
      %get3A_90 = arith.constant 48 : index
      %get3A_91 = tpu.vector_load %arg7[%get3A_89, %get3A_90] {strides = array<i32>} : memref<128x128xf32, #tpu.memory_space<vmem>>, vector<16xf32>,
      %add3A_92 = arith.addf %get3A_88, %get3A_91 : vector<16xf32>
      %swap3A_93 = arith.index_cast %scan3A_55 : i32 to index
      %swap3A_94 = arith.constant 48 : index
      %swap3A_95 = tpu.vector_load %arg8[%swap3A_93, %swap3A_94] {strides = array<i32>} : memref<128x64xf32, #tpu.memory_space<vmem>>, vector<16xf32>,
      tpu.vector_store %arg8[%swap3A_93, %swap3A_94], %add3A_92 {strides = array<i32>} : memref<128x64xf32, #tpu.memory_space<vmem>>, vector<16xf32>,
      %scan3A_96 = arith.constant 0 : i32
      scf.yield %scan3A_96 : i32
    }
    %scan3A_12 = arith.constant 128 : i32
    "tpu.trace_stop"() : () -> ()
    "tpu.trace_start"() <{level = 10 : i32, message = "ph_outB"}> : () -> ()
    "tpu.region"() ({
      %run_scoped3A = tpu.sem_alloc : memref<!tpu.dma_semaphore, #tpu.memory_space<semaphore_mem>>
      %dma_start3A_13 = arith.constant 0 : i32
      %dma_start3A_14 = tpu.memref_slice %arg5[%mul3A_2, %dma_start3A_13] : memref<4096x64xf32, #tpu.memory_space<hbm>> -> memref<128x64xf32, #tpu.memory_space<hbm>>
      %dma_start3A_15 = arith.constant 0 : i32
      %dma_start3A_16 = tpu.memref_slice %arg5[%mul3A_2, %dma_start3A_15] : memref<4096x64xf32, #tpu.memory_space<hbm>> -> memref<128x64xf32, #tpu.memory_space<hbm>>
      tpu.enqueue_dma source(%arg8 : memref<128x64xf32, #tpu.memory_space<vmem>>) target(%dma_start3A_16 : memref<128x64xf32, #tpu.memory_space<hbm>>) target_semaphore(%run_scoped3A : memref<!tpu.dma_semaphore, #tpu.memory_space<semaphore_mem>>)
      %dma_wait3A_17 = arith.constant 0 : i32
      %dma_wait3A_18 = tpu.memref_slice %arg5[%mul3A_2, %dma_wait3A_17] : memref<4096x64xf32, #tpu.memory_space<hbm>> -> memref<128x64xf32, #tpu.memory_space<hbm>>
      %dma_wait3A_19 = arith.constant 0 : i32
      %dma_wait3A_20 = tpu.memref_slice %arg5[%mul3A_2, %dma_wait3A_19] : memref<4096x64xf32, #tpu.memory_space<hbm>> -> memref<128x64xf32, #tpu.memory_space<hbm>>
      tpu.wait_dma2 semaphore(%run_scoped3A : memref<!tpu.dma_semaphore, #tpu.memory_space<semaphore_mem>>) src(%arg8 : memref<128x64xf32, #tpu.memory_space<vmem>>) dst(%dma_wait3A_20 : memref<128x64xf32, #tpu.memory_space<hbm>>)
      tpu.yield
    }) : () -> ()
    "tpu.trace_stop"() : () -> ()
    return
  }
}

#map = affine_map<(d0, d1) -> (0)>
#map1 = affine_map<(d0, d1) -> (0, 0)>
module attributes {stable_mosaic.version = 14 : i64} {
  func.func @ka(%arg0: i32, %arg1: i32, %arg2: memref<4096xi32, #tpu.memory_space<hbm>>, %arg3: memref<3125x64xf32, #tpu.memory_space<hbm>>, %arg4: memref<97x64xf32, #tpu.memory_space<hbm>>, %arg5: memref<3x64xf32, #tpu.memory_space<hbm>>, %arg6: memref<100000xi32, #tpu.memory_space<hbm>>, %arg7: memref<3125xi32, #tpu.memory_space<hbm>>, %arg8: memref<97xi32, #tpu.memory_space<hbm>>, %arg9: memref<4096x64xf32, #tpu.memory_space<hbm>>, %arg10: memref<128xi32, #tpu.memory_space<vmem>>, %arg11: memref<128xi32, #tpu.memory_space<vmem>>, %arg12: memref<128x64xf32, #tpu.memory_space<vmem>>, %arg13: memref<208x64xf32, #tpu.memory_space<vmem>>, %arg14: memref<208x64xf32, #tpu.memory_space<vmem>>, %arg15: memref<208x64xf32, #tpu.memory_space<vmem>>, %arg16: memref<3328xi32, #tpu.memory_space<vmem>>, %arg17: memref<208xi32, #tpu.memory_space<vmem>>, %arg18: memref<208xi32, #tpu.memory_space<vmem>>, %arg19: memref<100096xi32, #tpu.memory_space<vmem_shared>>, %arg20: memref<3328x64xf32, #tpu.memory_space<vmem_shared>>, %arg21: memref<97xi32, #tpu.memory_space<vmem_shared>>, %arg22: memref<97x64xf32, #tpu.memory_space<vmem_shared>>, %arg23: memref<3x64xf32, #tpu.memory_space<vmem_shared>>, %arg24: memref<!tpu.dma_semaphore, #tpu.memory_space<semaphore_mem>>) attributes {dimension_semantics = [#tpu.dimension_semantics<core_parallel>, #tpu.dimension_semantics<subcore_parallel>], iteration_bounds = array<i64: 2, 16>, scalar_prefetch = 0 : i64, scratch_operands = 15 : i64, tpu.core_type = #tpu.core_type<sc_vector_subcore>, window_params = [{transform_indices = #map}, {transform_indices = #map1}, {transform_indices = #map1}, {transform_indices = #map1}, {transform_indices = #map}, {transform_indices = #map}, {transform_indices = #map}, {transform_indices = #map1}]} {
    %mul3A = arith.constant 2 : i32
    %mul3A_0 = arith.muli %arg1, %mul3A : i32
    %add3A = arith.addi %mul3A_0, %arg0 : i32
    %mul3A_1 = arith.constant 128 : i32
    %mul3A_2 = arith.muli %add3A, %mul3A_1 : i32
    %mul3A_3 = arith.constant 208 : i32
    %mul3A_4 = arith.muli %arg1, %mul3A_3 : i32
    %iota3A = tpu.iota {dimensions = array<i32: 0>} : vector<16xi32>
    "tpu.trace_start"() <{level = 10 : i32, message = "ph_idx"}> : () -> ()
    "tpu.region"() ({
      %run_scoped3A = tpu.sem_alloc : memref<!tpu.dma_semaphore, #tpu.memory_space<semaphore_mem>>
      %dma_start3A_433 = tpu.memref_slice %arg2[%mul3A_2] : memref<4096xi32, #tpu.memory_space<hbm>> -> memref<128xi32, #tpu.memory_space<hbm>>
      %dma_start3A_434 = tpu.memref_slice %arg2[%mul3A_2] : memref<4096xi32, #tpu.memory_space<hbm>> -> memref<128xi32, #tpu.memory_space<hbm>>
      tpu.enqueue_dma source(%dma_start3A_434 : memref<128xi32, #tpu.memory_space<hbm>>) target(%arg10 : memref<128xi32, #tpu.memory_space<vmem>>) target_semaphore(%run_scoped3A : memref<!tpu.dma_semaphore, #tpu.memory_space<semaphore_mem>>)
      %dma_wait3A_435 = tpu.memref_slice %arg2[%mul3A_2] : memref<4096xi32, #tpu.memory_space<hbm>> -> memref<128xi32, #tpu.memory_space<hbm>>
      %dma_wait3A_436 = tpu.memref_slice %arg2[%mul3A_2] : memref<4096xi32, #tpu.memory_space<hbm>> -> memref<128xi32, #tpu.memory_space<hbm>>
      tpu.wait_dma2 semaphore(%run_scoped3A : memref<!tpu.dma_semaphore, #tpu.memory_space<semaphore_mem>>) src(%dma_wait3A_436 : memref<128xi32, #tpu.memory_space<hbm>>) dst(%arg10 : memref<128xi32, #tpu.memory_space<vmem>>)
      tpu.yield
    }) : () -> ()
    "tpu.trace_stop"() : () -> ()
    "tpu.trace_start"() <{level = 10 : i32, message = "ph_stage"}> : () -> ()
    %mul3A_5 = arith.constant 6256 : i32
    %mul3A_6 = arith.muli %arg1, %mul3A_5 : i32
    %lt3A = arith.constant 15 : i32
    %lt3A_7 = arith.cmpi slt, %arg1, %lt3A : i32
    %convert_element_type3A = arith.extui %lt3A_7 : i1 to i32
    %cond3A = arith.constant 0 : i32
    %cond3A_8 = arith.cmpi ne, %convert_element_type3A, %cond3A : i32
    scf.if %cond3A_8 {
      "tpu.region"() ({
        %run_scoped3A = tpu.sem_alloc : memref<!tpu.dma_semaphore, #tpu.memory_space<semaphore_mem>>
        %dma_start3A_433 = tpu.memref_slice %arg19[%mul3A_6] : memref<100096xi32, #tpu.memory_space<vmem_shared>> -> memref<6256xi32, #tpu.memory_space<vmem_shared>>
        %dma_start3A_434 = tpu.memref_slice %arg6[%mul3A_6] : memref<100000xi32, #tpu.memory_space<hbm>> -> memref<6256xi32, #tpu.memory_space<hbm>>
        tpu.enqueue_dma source(%dma_start3A_434 : memref<6256xi32, #tpu.memory_space<hbm>>) target(%dma_start3A_433 : memref<6256xi32, #tpu.memory_space<vmem_shared>>) target_semaphore(%run_scoped3A : memref<!tpu.dma_semaphore, #tpu.memory_space<semaphore_mem>>)
        %dma_wait3A_435 = tpu.memref_slice %arg19[%mul3A_6] : memref<100096xi32, #tpu.memory_space<vmem_shared>> -> memref<6256xi32, #tpu.memory_space<vmem_shared>>
        %dma_wait3A_436 = tpu.memref_slice %arg6[%mul3A_6] : memref<100000xi32, #tpu.memory_space<hbm>> -> memref<6256xi32, #tpu.memory_space<hbm>>
        tpu.wait_dma2 semaphore(%run_scoped3A : memref<!tpu.dma_semaphore, #tpu.memory_space<semaphore_mem>>) src(%dma_wait3A_436 : memref<6256xi32, #tpu.memory_space<hbm>>) dst(%dma_wait3A_435 : memref<6256xi32, #tpu.memory_space<vmem_shared>>)
        tpu.yield
      }) : () -> ()
      "tpu.region"() ({
        %run_scoped3A = tpu.sem_alloc : memref<!tpu.dma_semaphore, #tpu.memory_space<semaphore_mem>>
        %dma_start3A_433 = arith.constant 0 : i32
        %dma_start3A_434 = tpu.memref_slice %arg3[%mul3A_4, %dma_start3A_433] : memref<3125x64xf32, #tpu.memory_space<hbm>> -> memref<208x64xf32, #tpu.memory_space<hbm>>
        %dma_start3A_435 = arith.constant 0 : i32
        %dma_start3A_436 = tpu.memref_slice %arg3[%mul3A_4, %dma_start3A_435] : memref<3125x64xf32, #tpu.memory_space<hbm>> -> memref<208x64xf32, #tpu.memory_space<hbm>>
        tpu.enqueue_dma source(%dma_start3A_436 : memref<208x64xf32, #tpu.memory_space<hbm>>) target(%arg13 : memref<208x64xf32, #tpu.memory_space<vmem>>) target_semaphore(%run_scoped3A : memref<!tpu.dma_semaphore, #tpu.memory_space<semaphore_mem>>)
        %dma_wait3A_437 = arith.constant 0 : i32
        %dma_wait3A_438 = tpu.memref_slice %arg3[%mul3A_4, %dma_wait3A_437] : memref<3125x64xf32, #tpu.memory_space<hbm>> -> memref<208x64xf32, #tpu.memory_space<hbm>>
        %dma_wait3A_439 = arith.constant 0 : i32
        %dma_wait3A_440 = tpu.memref_slice %arg3[%mul3A_4, %dma_wait3A_439] : memref<3125x64xf32, #tpu.memory_space<hbm>> -> memref<208x64xf32, #tpu.memory_space<hbm>>
        tpu.wait_dma2 semaphore(%run_scoped3A : memref<!tpu.dma_semaphore, #tpu.memory_space<semaphore_mem>>) src(%dma_wait3A_440 : memref<208x64xf32, #tpu.memory_space<hbm>>) dst(%arg13 : memref<208x64xf32, #tpu.memory_space<vmem>>)
        tpu.yield
      }) : () -> ()
    } else {
    }
    %eq3A = arith.constant 15 : i32
    %eq3A_9 = arith.cmpi eq, %arg1, %eq3A : i32
    %convert_element_type3A_10 = arith.extui %eq3A_9 : i1 to i32
    %cond3A_11 = arith.constant 0 : i32
    %cond3A_12 = arith.cmpi ne, %convert_element_type3A_10, %cond3A_11 : i32
    scf.if %cond3A_12 {
      "tpu.region"() ({
        %run_scoped3A = tpu.sem_alloc : memref<!tpu.dma_semaphore, #tpu.memory_space<semaphore_mem>>
        %dma_start3A_433 = tpu.memref_slice %arg19[%mul3A_6] : memref<100096xi32, #tpu.memory_space<vmem_shared>> -> memref<6160xi32, #tpu.memory_space<vmem_shared>>
        %dma_start3A_434 = tpu.memref_slice %arg6[%mul3A_6] : memref<100000xi32, #tpu.memory_space<hbm>> -> memref<6160xi32, #tpu.memory_space<hbm>>
        tpu.enqueue_dma source(%dma_start3A_434 : memref<6160xi32, #tpu.memory_space<hbm>>) target(%dma_start3A_433 : memref<6160xi32, #tpu.memory_space<vmem_shared>>) target_semaphore(%run_scoped3A : memref<!tpu.dma_semaphore, #tpu.memory_space<semaphore_mem>>)
        %dma_wait3A_435 = tpu.memref_slice %arg19[%mul3A_6] : memref<100096xi32, #tpu.memory_space<vmem_shared>> -> memref<6160xi32, #tpu.memory_space<vmem_shared>>
        %dma_wait3A_436 = tpu.memref_slice %arg6[%mul3A_6] : memref<100000xi32, #tpu.memory_space<hbm>> -> memref<6160xi32, #tpu.memory_space<hbm>>
        tpu.wait_dma2 semaphore(%run_scoped3A : memref<!tpu.dma_semaphore, #tpu.memory_space<semaphore_mem>>) src(%dma_wait3A_436 : memref<6160xi32, #tpu.memory_space<hbm>>) dst(%dma_wait3A_435 : memref<6160xi32, #tpu.memory_space<vmem_shared>>)
        tpu.yield
      }) : () -> ()
      "tpu.region"() ({
        %run_scoped3A = tpu.sem_alloc : memref<!tpu.dma_semaphore, #tpu.memory_space<semaphore_mem>>
        %dma_start3A_433 = arith.constant 0 : i32
        %dma_start3A_434 = arith.constant 0 : i32
        %dma_start3A_435 = tpu.memref_slice %arg13[%dma_start3A_433, %dma_start3A_434] : memref<208x64xf32, #tpu.memory_space<vmem>> -> memref<5x64xf32, #tpu.memory_space<vmem>>
        %dma_start3A_436 = arith.constant 3120 : i32
        %dma_start3A_437 = arith.constant 0 : i32
        %dma_start3A_438 = tpu.memref_slice %arg3[%dma_start3A_436, %dma_start3A_437] : memref<3125x64xf32, #tpu.memory_space<hbm>> -> memref<5x64xf32, #tpu.memory_space<hbm>>
        %dma_start3A_439 = arith.constant 0 : i32
        %dma_start3A_440 = arith.constant 0 : i32
        %dma_start3A_441 = tpu.memref_slice %arg13[%dma_start3A_439, %dma_start3A_440] : memref<208x64xf32, #tpu.memory_space<vmem>> -> memref<5x64xf32, #tpu.memory_space<vmem>>
        %dma_start3A_442 = arith.constant 3120 : i32
        %dma_start3A_443 = arith.constant 0 : i32
        %dma_start3A_444 = tpu.memref_slice %arg3[%dma_start3A_442, %dma_start3A_443] : memref<3125x64xf32, #tpu.memory_space<hbm>> -> memref<5x64xf32, #tpu.memory_space<hbm>>
        tpu.enqueue_dma source(%dma_start3A_444 : memref<5x64xf32, #tpu.memory_space<hbm>>) target(%dma_start3A_441 : memref<5x64xf32, #tpu.memory_space<vmem>>) target_semaphore(%run_scoped3A : memref<!tpu.dma_semaphore, #tpu.memory_space<semaphore_mem>>)
        %dma_wait3A_445 = arith.constant 0 : i32
        %dma_wait3A_446 = arith.constant 0 : i32
        %dma_wait3A_447 = tpu.memref_slice %arg13[%dma_wait3A_445, %dma_wait3A_446] : memref<208x64xf32, #tpu.memory_space<vmem>> -> memref<5x64xf32, #tpu.memory_space<vmem>>
        %dma_wait3A_448 = arith.constant 3120 : i32
        %dma_wait3A_449 = arith.constant 0 : i32
        %dma_wait3A_450 = tpu.memref_slice %arg3[%dma_wait3A_448, %dma_wait3A_449] : memref<3125x64xf32, #tpu.memory_space<hbm>> -> memref<5x64xf32, #tpu.memory_space<hbm>>
        %dma_wait3A_451 = arith.constant 0 : i32
        %dma_wait3A_452 = arith.constant 0 : i32
        %dma_wait3A_453 = tpu.memref_slice %arg13[%dma_wait3A_451, %dma_wait3A_452] : memref<208x64xf32, #tpu.memory_space<vmem>> -> memref<5x64xf32, #tpu.memory_space<vmem>>
        %dma_wait3A_454 = arith.constant 3120 : i32
        %dma_wait3A_455 = arith.constant 0 : i32
        %dma_wait3A_456 = tpu.memref_slice %arg3[%dma_wait3A_454, %dma_wait3A_455] : memref<3125x64xf32, #tpu.memory_space<hbm>> -> memref<5x64xf32, #tpu.memory_space<hbm>>
        tpu.wait_dma2 semaphore(%run_scoped3A : memref<!tpu.dma_semaphore, #tpu.memory_space<semaphore_mem>>) src(%dma_wait3A_456 : memref<5x64xf32, #tpu.memory_space<hbm>>) dst(%dma_wait3A_453 : memref<5x64xf32, #tpu.memory_space<vmem>>)
        tpu.yield
      }) : () -> ()
    } else {
    }
    "tpu.region"() ({
      %run_scoped3A = tpu.sem_alloc : memref<!tpu.dma_semaphore, #tpu.memory_space<semaphore_mem>>
      %dma_start3A_433 = arith.constant 0 : i32
      %dma_start3A_434 = tpu.memref_slice %arg16[%dma_start3A_433] : memref<3328xi32, #tpu.memory_space<vmem>> -> memref<3125xi32, #tpu.memory_space<vmem>>
      %dma_start3A_435 = arith.constant 0 : i32
      %dma_start3A_436 = tpu.memref_slice %arg16[%dma_start3A_435] : memref<3328xi32, #tpu.memory_space<vmem>> -> memref<3125xi32, #tpu.memory_space<vmem>>
      tpu.enqueue_dma source(%arg7 : memref<3125xi32, #tpu.memory_space<hbm>>) target(%dma_start3A_436 : memref<3125xi32, #tpu.memory_space<vmem>>) target_semaphore(%run_scoped3A : memref<!tpu.dma_semaphore, #tpu.memory_space<semaphore_mem>>)
      %dma_wait3A_437 = arith.constant 0 : i32
      %dma_wait3A_438 = tpu.memref_slice %arg16[%dma_wait3A_437] : memref<3328xi32, #tpu.memory_space<vmem>> -> memref<3125xi32, #tpu.memory_space<vmem>>
      %dma_wait3A_439 = arith.constant 0 : i32
      %dma_wait3A_440 = tpu.memref_slice %arg16[%dma_wait3A_439] : memref<3328xi32, #tpu.memory_space<vmem>> -> memref<3125xi32, #tpu.memory_space<vmem>>
      tpu.wait_dma2 semaphore(%run_scoped3A : memref<!tpu.dma_semaphore, #tpu.memory_space<semaphore_mem>>) src(%arg7 : memref<3125xi32, #tpu.memory_space<hbm>>) dst(%dma_wait3A_440 : memref<3125xi32, #tpu.memory_space<vmem>>)
      tpu.yield
    }) : () -> ()
    %eq3A_13 = arith.constant 0 : i32
    %eq3A_14 = arith.cmpi eq, %arg1, %eq3A_13 : i32
    %convert_element_type3A_15 = arith.extui %eq3A_14 : i1 to i32
    %cond3A_16 = arith.constant 0 : i32
    %cond3A_17 = arith.cmpi ne, %convert_element_type3A_15, %cond3A_16 : i32
    scf.if %cond3A_17 {
      "tpu.region"() ({
        %run_scoped3A = tpu.sem_alloc : memref<!tpu.dma_semaphore, #tpu.memory_space<semaphore_mem>>
        tpu.enqueue_dma source(%arg8 : memref<97xi32, #tpu.memory_space<hbm>>) target(%arg21 : memref<97xi32, #tpu.memory_space<vmem_shared>>) target_semaphore(%run_scoped3A : memref<!tpu.dma_semaphore, #tpu.memory_space<semaphore_mem>>)
        tpu.wait_dma2 semaphore(%run_scoped3A : memref<!tpu.dma_semaphore, #tpu.memory_space<semaphore_mem>>) src(%arg8 : memref<97xi32, #tpu.memory_space<hbm>>) dst(%arg21 : memref<97xi32, #tpu.memory_space<vmem_shared>>)
        tpu.yield
      }) : () -> ()
      "tpu.region"() ({
        %run_scoped3A = tpu.sem_alloc : memref<!tpu.dma_semaphore, #tpu.memory_space<semaphore_mem>>
        tpu.enqueue_dma source(%arg4 : memref<97x64xf32, #tpu.memory_space<hbm>>) target(%arg22 : memref<97x64xf32, #tpu.memory_space<vmem_shared>>) target_semaphore(%run_scoped3A : memref<!tpu.dma_semaphore, #tpu.memory_space<semaphore_mem>>)
        tpu.wait_dma2 semaphore(%run_scoped3A : memref<!tpu.dma_semaphore, #tpu.memory_space<semaphore_mem>>) src(%arg4 : memref<97x64xf32, #tpu.memory_space<hbm>>) dst(%arg22 : memref<97x64xf32, #tpu.memory_space<vmem_shared>>)
        tpu.yield
      }) : () -> ()
      "tpu.region"() ({
        %run_scoped3A = tpu.sem_alloc : memref<!tpu.dma_semaphore, #tpu.memory_space<semaphore_mem>>
        tpu.enqueue_dma source(%arg5 : memref<3x64xf32, #tpu.memory_space<hbm>>) target(%arg23 : memref<3x64xf32, #tpu.memory_space<vmem_shared>>) target_semaphore(%run_scoped3A : memref<!tpu.dma_semaphore, #tpu.memory_space<semaphore_mem>>)
        tpu.wait_dma2 semaphore(%run_scoped3A : memref<!tpu.dma_semaphore, #tpu.memory_space<semaphore_mem>>) src(%arg5 : memref<3x64xf32, #tpu.memory_space<hbm>>) dst(%arg23 : memref<3x64xf32, #tpu.memory_space<vmem_shared>>)
        tpu.yield
      }) : () -> ()
    } else {
    }
    "tpu.trace_stop"() : () -> ()
    "tpu.trace_start"() <{level = 10 : i32, message = "ph_prep"}> : () -> ()
    %add3A_18 = arith.constant 0 : i32
    %add3A_19 = arith.addi %mul3A_4, %add3A_18 : i32
    %get3A = arith.index_cast %add3A_19 : i32 to index
    %get3A_20 = tpu.vector_load %arg16[%get3A] {strides = array<i32>} : memref<3328xi32, #tpu.memory_space<vmem>>, vector<16xi32>,
    %max3A = arith.constant 0 : i32
    %max3A_21 = vector.broadcast %max3A : i32 to vector<16xi32>
    %max3A_22 = arith.maxsi %get3A_20, %max3A_21 : vector<16xi32>
    %min3A = arith.constant 96 : i32
    %min3A_23 = vector.broadcast %min3A : i32 to vector<16xi32>
    %min3A_24 = arith.minsi %max3A_22, %min3A_23 : vector<16xi32>
    %add3A_25 = arith.constant 0 : i32
    %add3A_26 = arith.addi %mul3A_4, %add3A_25 : i32
    %swap3A = arith.index_cast %add3A_26 : i32 to index
    %swap3A_27 = tpu.vector_load %arg16[%swap3A] {strides = array<i32>} : memref<3328xi32, #tpu.memory_space<vmem>>, vector<16xi32>,
    tpu.vector_store %arg16[%swap3A], %min3A_24 {strides = array<i32>} : memref<3328xi32, #tpu.memory_space<vmem>>, vector<16xi32>,
    %add3A_28 = arith.constant 0 : i32
    %add3A_29 = arith.addi %mul3A_4, %add3A_28 : i32
    %add3A_30 = vector.broadcast %add3A_29 : i32 to vector<16xi32>
    %add3A_31 = arith.addi %add3A_30, %iota3A : vector<16xi32>
    %swap3A_32 = arith.constant 0 : index
    %swap3A_33 = tpu.vector_load %arg18[%swap3A_32] {strides = array<i32>} : memref<208xi32, #tpu.memory_space<vmem>>, vector<16xi32>,
    tpu.vector_store %arg18[%swap3A_32], %add3A_31 {strides = array<i32>} : memref<208xi32, #tpu.memory_space<vmem>>, vector<16xi32>,
    %add3A_34 = arith.constant 16 : i32
    %add3A_35 = arith.addi %mul3A_4, %add3A_34 : i32
    %get3A_36 = arith.index_cast %add3A_35 : i32 to index
    %get3A_37 = tpu.vector_load %arg16[%get3A_36] {strides = array<i32>} : memref<3328xi32, #tpu.memory_space<vmem>>, vector<16xi32>,
    %max3A_38 = arith.constant 0 : i32
    %max3A_39 = vector.broadcast %max3A_38 : i32 to vector<16xi32>
    %max3A_40 = arith.maxsi %get3A_37, %max3A_39 : vector<16xi32>
    %min3A_41 = arith.constant 96 : i32
    %min3A_42 = vector.broadcast %min3A_41 : i32 to vector<16xi32>
    %min3A_43 = arith.minsi %max3A_40, %min3A_42 : vector<16xi32>
    %add3A_44 = arith.constant 16 : i32
    %add3A_45 = arith.addi %mul3A_4, %add3A_44 : i32
    %swap3A_46 = arith.index_cast %add3A_45 : i32 to index
    %swap3A_47 = tpu.vector_load %arg16[%swap3A_46] {strides = array<i32>} : memref<3328xi32, #tpu.memory_space<vmem>>, vector<16xi32>,
    tpu.vector_store %arg16[%swap3A_46], %min3A_43 {strides = array<i32>} : memref<3328xi32, #tpu.memory_space<vmem>>, vector<16xi32>,
    %add3A_48 = arith.constant 16 : i32
    %add3A_49 = arith.addi %mul3A_4, %add3A_48 : i32
    %add3A_50 = vector.broadcast %add3A_49 : i32 to vector<16xi32>
    %add3A_51 = arith.addi %add3A_50, %iota3A : vector<16xi32>
    %swap3A_52 = arith.constant 16 : index
    %swap3A_53 = tpu.vector_load %arg18[%swap3A_52] {strides = array<i32>} : memref<208xi32, #tpu.memory_space<vmem>>, vector<16xi32>,
    tpu.vector_store %arg18[%swap3A_52], %add3A_51 {strides = array<i32>} : memref<208xi32, #tpu.memory_space<vmem>>, vector<16xi32>,
    %add3A_54 = arith.constant 32 : i32
    %add3A_55 = arith.addi %mul3A_4, %add3A_54 : i32
    %get3A_56 = arith.index_cast %add3A_55 : i32 to index
    %get3A_57 = tpu.vector_load %arg16[%get3A_56] {strides = array<i32>} : memref<3328xi32, #tpu.memory_space<vmem>>, vector<16xi32>,
    %max3A_58 = arith.constant 0 : i32
    %max3A_59 = vector.broadcast %max3A_58 : i32 to vector<16xi32>
    %max3A_60 = arith.maxsi %get3A_57, %max3A_59 : vector<16xi32>
    %min3A_61 = arith.constant 96 : i32
    %min3A_62 = vector.broadcast %min3A_61 : i32 to vector<16xi32>
    %min3A_63 = arith.minsi %max3A_60, %min3A_62 : vector<16xi32>
    %add3A_64 = arith.constant 32 : i32
    %add3A_65 = arith.addi %mul3A_4, %add3A_64 : i32
    %swap3A_66 = arith.index_cast %add3A_65 : i32 to index
    %swap3A_67 = tpu.vector_load %arg16[%swap3A_66] {strides = array<i32>} : memref<3328xi32, #tpu.memory_space<vmem>>, vector<16xi32>,
    tpu.vector_store %arg16[%swap3A_66], %min3A_63 {strides = array<i32>} : memref<3328xi32, #tpu.memory_space<vmem>>, vector<16xi32>,
    %add3A_68 = arith.constant 32 : i32
    %add3A_69 = arith.addi %mul3A_4, %add3A_68 : i32
    %add3A_70 = vector.broadcast %add3A_69 : i32 to vector<16xi32>
    %add3A_71 = arith.addi %add3A_70, %iota3A : vector<16xi32>
    %swap3A_72 = arith.constant 32 : index
    %swap3A_73 = tpu.vector_load %arg18[%swap3A_72] {strides = array<i32>} : memref<208xi32, #tpu.memory_space<vmem>>, vector<16xi32>,
    tpu.vector_store %arg18[%swap3A_72], %add3A_71 {strides = array<i32>} : memref<208xi32, #tpu.memory_space<vmem>>, vector<16xi32>,
    %add3A_74 = arith.constant 48 : i32
    %add3A_75 = arith.addi %mul3A_4, %add3A_74 : i32
    %get3A_76 = arith.index_cast %add3A_75 : i32 to index
    %get3A_77 = tpu.vector_load %arg16[%get3A_76] {strides = array<i32>} : memref<3328xi32, #tpu.memory_space<vmem>>, vector<16xi32>,
    %max3A_78 = arith.constant 0 : i32
    %max3A_79 = vector.broadcast %max3A_78 : i32 to vector<16xi32>
    %max3A_80 = arith.maxsi %get3A_77, %max3A_79 : vector<16xi32>
    %min3A_81 = arith.constant 96 : i32
    %min3A_82 = vector.broadcast %min3A_81 : i32 to vector<16xi32>
    %min3A_83 = arith.minsi %max3A_80, %min3A_82 : vector<16xi32>
    %add3A_84 = arith.constant 48 : i32
    %add3A_85 = arith.addi %mul3A_4, %add3A_84 : i32
    %swap3A_86 = arith.index_cast %add3A_85 : i32 to index
    %swap3A_87 = tpu.vector_load %arg16[%swap3A_86] {strides = array<i32>} : memref<3328xi32, #tpu.memory_space<vmem>>, vector<16xi32>,
    tpu.vector_store %arg16[%swap3A_86], %min3A_83 {strides = array<i32>} : memref<3328xi32, #tpu.memory_space<vmem>>, vector<16xi32>,
    %add3A_88 = arith.constant 48 : i32
    %add3A_89 = arith.addi %mul3A_4, %add3A_88 : i32
    %add3A_90 = vector.broadcast %add3A_89 : i32 to vector<16xi32>
    %add3A_91 = arith.addi %add3A_90, %iota3A : vector<16xi32>
    %swap3A_92 = arith.constant 48 : index
    %swap3A_93 = tpu.vector_load %arg18[%swap3A_92] {strides = array<i32>} : memref<208xi32, #tpu.memory_space<vmem>>, vector<16xi32>,
    tpu.vector_store %arg18[%swap3A_92], %add3A_91 {strides = array<i32>} : memref<208xi32, #tpu.memory_space<vmem>>, vector<16xi32>,
    %add3A_94 = arith.constant 64 : i32
    %add3A_95 = arith.addi %mul3A_4, %add3A_94 : i32
    %get3A_96 = arith.index_cast %add3A_95 : i32 to index
    %get3A_97 = tpu.vector_load %arg16[%get3A_96] {strides = array<i32>} : memref<3328xi32, #tpu.memory_space<vmem>>, vector<16xi32>,
    %max3A_98 = arith.constant 0 : i32
    %max3A_99 = vector.broadcast %max3A_98 : i32 to vector<16xi32>
    %max3A_100 = arith.maxsi %get3A_97, %max3A_99 : vector<16xi32>
    %min3A_101 = arith.constant 96 : i32
    %min3A_102 = vector.broadcast %min3A_101 : i32 to vector<16xi32>
    %min3A_103 = arith.minsi %max3A_100, %min3A_102 : vector<16xi32>
    %add3A_104 = arith.constant 64 : i32
    %add3A_105 = arith.addi %mul3A_4, %add3A_104 : i32
    %swap3A_106 = arith.index_cast %add3A_105 : i32 to index
    %swap3A_107 = tpu.vector_load %arg16[%swap3A_106] {strides = array<i32>} : memref<3328xi32, #tpu.memory_space<vmem>>, vector<16xi32>,
    tpu.vector_store %arg16[%swap3A_106], %min3A_103 {strides = array<i32>} : memref<3328xi32, #tpu.memory_space<vmem>>, vector<16xi32>,
    %add3A_108 = arith.constant 64 : i32
    %add3A_109 = arith.addi %mul3A_4, %add3A_108 : i32
    %add3A_110 = vector.broadcast %add3A_109 : i32 to vector<16xi32>
    %add3A_111 = arith.addi %add3A_110, %iota3A : vector<16xi32>
    %swap3A_112 = arith.constant 64 : index
    %swap3A_113 = tpu.vector_load %arg18[%swap3A_112] {strides = array<i32>} : memref<208xi32, #tpu.memory_space<vmem>>, vector<16xi32>,
    tpu.vector_store %arg18[%swap3A_112], %add3A_111 {strides = array<i32>} : memref<208xi32, #tpu.memory_space<vmem>>, vector<16xi32>,
    %add3A_114 = arith.constant 80 : i32
    %add3A_115 = arith.addi %mul3A_4, %add3A_114 : i32
    %get3A_116 = arith.index_cast %add3A_115 : i32 to index
    %get3A_117 = tpu.vector_load %arg16[%get3A_116] {strides = array<i32>} : memref<3328xi32, #tpu.memory_space<vmem>>, vector<16xi32>,
    %max3A_118 = arith.constant 0 : i32
    %max3A_119 = vector.broadcast %max3A_118 : i32 to vector<16xi32>
    %max3A_120 = arith.maxsi %get3A_117, %max3A_119 : vector<16xi32>
    %min3A_121 = arith.constant 96 : i32
    %min3A_122 = vector.broadcast %min3A_121 : i32 to vector<16xi32>
    %min3A_123 = arith.minsi %max3A_120, %min3A_122 : vector<16xi32>
    %add3A_124 = arith.constant 80 : i32
    %add3A_125 = arith.addi %mul3A_4, %add3A_124 : i32
    %swap3A_126 = arith.index_cast %add3A_125 : i32 to index
    %swap3A_127 = tpu.vector_load %arg16[%swap3A_126] {strides = array<i32>} : memref<3328xi32, #tpu.memory_space<vmem>>, vector<16xi32>,
    tpu.vector_store %arg16[%swap3A_126], %min3A_123 {strides = array<i32>} : memref<3328xi32, #tpu.memory_space<vmem>>, vector<16xi32>,
    %add3A_128 = arith.constant 80 : i32
    %add3A_129 = arith.addi %mul3A_4, %add3A_128 : i32
    %add3A_130 = vector.broadcast %add3A_129 : i32 to vector<16xi32>
    %add3A_131 = arith.addi %add3A_130, %iota3A : vector<16xi32>
    %swap3A_132 = arith.constant 80 : index
    %swap3A_133 = tpu.vector_load %arg18[%swap3A_132] {strides = array<i32>} : memref<208xi32, #tpu.memory_space<vmem>>, vector<16xi32>,
    tpu.vector_store %arg18[%swap3A_132], %add3A_131 {strides = array<i32>} : memref<208xi32, #tpu.memory_space<vmem>>, vector<16xi32>,
    %add3A_134 = arith.constant 96 : i32
    %add3A_135 = arith.addi %mul3A_4, %add3A_134 : i32
    %get3A_136 = arith.index_cast %add3A_135 : i32 to index
    %get3A_137 = tpu.vector_load %arg16[%get3A_136] {strides = array<i32>} : memref<3328xi32, #tpu.memory_space<vmem>>, vector<16xi32>,
    %max3A_138 = arith.constant 0 : i32
    %max3A_139 = vector.broadcast %max3A_138 : i32 to vector<16xi32>
    %max3A_140 = arith.maxsi %get3A_137, %max3A_139 : vector<16xi32>
    %min3A_141 = arith.constant 96 : i32
    %min3A_142 = vector.broadcast %min3A_141 : i32 to vector<16xi32>
    %min3A_143 = arith.minsi %max3A_140, %min3A_142 : vector<16xi32>
    %add3A_144 = arith.constant 96 : i32
    %add3A_145 = arith.addi %mul3A_4, %add3A_144 : i32
    %swap3A_146 = arith.index_cast %add3A_145 : i32 to index
    %swap3A_147 = tpu.vector_load %arg16[%swap3A_146] {strides = array<i32>} : memref<3328xi32, #tpu.memory_space<vmem>>, vector<16xi32>,
    tpu.vector_store %arg16[%swap3A_146], %min3A_143 {strides = array<i32>} : memref<3328xi32, #tpu.memory_space<vmem>>, vector<16xi32>,
    %add3A_148 = arith.constant 96 : i32
    %add3A_149 = arith.addi %mul3A_4, %add3A_148 : i32
    %add3A_150 = vector.broadcast %add3A_149 : i32 to vector<16xi32>
    %add3A_151 = arith.addi %add3A_150, %iota3A : vector<16xi32>
    %swap3A_152 = arith.constant 96 : index
    %swap3A_153 = tpu.vector_load %arg18[%swap3A_152] {strides = array<i32>} : memref<208xi32, #tpu.memory_space<vmem>>, vector<16xi32>,
    tpu.vector_store %arg18[%swap3A_152], %add3A_151 {strides = array<i32>} : memref<208xi32, #tpu.memory_space<vmem>>, vector<16xi32>,
    %add3A_154 = arith.constant 112 : i32
    %add3A_155 = arith.addi %mul3A_4, %add3A_154 : i32
    %get3A_156 = arith.index_cast %add3A_155 : i32 to index
    %get3A_157 = tpu.vector_load %arg16[%get3A_156] {strides = array<i32>} : memref<3328xi32, #tpu.memory_space<vmem>>, vector<16xi32>,
    %max3A_158 = arith.constant 0 : i32
    %max3A_159 = vector.broadcast %max3A_158 : i32 to vector<16xi32>
    %max3A_160 = arith.maxsi %get3A_157, %max3A_159 : vector<16xi32>
    %min3A_161 = arith.constant 96 : i32
    %min3A_162 = vector.broadcast %min3A_161 : i32 to vector<16xi32>
    %min3A_163 = arith.minsi %max3A_160, %min3A_162 : vector<16xi32>
    %add3A_164 = arith.constant 112 : i32
    %add3A_165 = arith.addi %mul3A_4, %add3A_164 : i32
    %swap3A_166 = arith.index_cast %add3A_165 : i32 to index
    %swap3A_167 = tpu.vector_load %arg16[%swap3A_166] {strides = array<i32>} : memref<3328xi32, #tpu.memory_space<vmem>>, vector<16xi32>,
    tpu.vector_store %arg16[%swap3A_166], %min3A_163 {strides = array<i32>} : memref<3328xi32, #tpu.memory_space<vmem>>, vector<16xi32>,
    %add3A_168 = arith.constant 112 : i32
    %add3A_169 = arith.addi %mul3A_4, %add3A_168 : i32
    %add3A_170 = vector.broadcast %add3A_169 : i32 to vector<16xi32>
    %add3A_171 = arith.addi %add3A_170, %iota3A : vector<16xi32>
    %swap3A_172 = arith.constant 112 : index
    %swap3A_173 = tpu.vector_load %arg18[%swap3A_172] {strides = array<i32>} : memref<208xi32, #tpu.memory_space<vmem>>, vector<16xi32>,
    tpu.vector_store %arg18[%swap3A_172], %add3A_171 {strides = array<i32>} : memref<208xi32, #tpu.memory_space<vmem>>, vector<16xi32>,
    %add3A_174 = arith.constant 128 : i32
    %add3A_175 = arith.addi %mul3A_4, %add3A_174 : i32
    %get3A_176 = arith.index_cast %add3A_175 : i32 to index
    %get3A_177 = tpu.vector_load %arg16[%get3A_176] {strides = array<i32>} : memref<3328xi32, #tpu.memory_space<vmem>>, vector<16xi32>,
    %max3A_178 = arith.constant 0 : i32
    %max3A_179 = vector.broadcast %max3A_178 : i32 to vector<16xi32>
    %max3A_180 = arith.maxsi %get3A_177, %max3A_179 : vector<16xi32>
    %min3A_181 = arith.constant 96 : i32
    %min3A_182 = vector.broadcast %min3A_181 : i32 to vector<16xi32>
    %min3A_183 = arith.minsi %max3A_180, %min3A_182 : vector<16xi32>
    %add3A_184 = arith.constant 128 : i32
    %add3A_185 = arith.addi %mul3A_4, %add3A_184 : i32
    %swap3A_186 = arith.index_cast %add3A_185 : i32 to index
    %swap3A_187 = tpu.vector_load %arg16[%swap3A_186] {strides = array<i32>} : memref<3328xi32, #tpu.memory_space<vmem>>, vector<16xi32>,
    tpu.vector_store %arg16[%swap3A_186], %min3A_183 {strides = array<i32>} : memref<3328xi32, #tpu.memory_space<vmem>>, vector<16xi32>,
    %add3A_188 = arith.constant 128 : i32
    %add3A_189 = arith.addi %mul3A_4, %add3A_188 : i32
    %add3A_190 = vector.broadcast %add3A_189 : i32 to vector<16xi32>
    %add3A_191 = arith.addi %add3A_190, %iota3A : vector<16xi32>
    %swap3A_192 = arith.constant 128 : index
    %swap3A_193 = tpu.vector_load %arg18[%swap3A_192] {strides = array<i32>} : memref<208xi32, #tpu.memory_space<vmem>>, vector<16xi32>,
    tpu.vector_store %arg18[%swap3A_192], %add3A_191 {strides = array<i32>} : memref<208xi32, #tpu.memory_space<vmem>>, vector<16xi32>,
    %add3A_194 = arith.constant 144 : i32
    %add3A_195 = arith.addi %mul3A_4, %add3A_194 : i32
    %get3A_196 = arith.index_cast %add3A_195 : i32 to index
    %get3A_197 = tpu.vector_load %arg16[%get3A_196] {strides = array<i32>} : memref<3328xi32, #tpu.memory_space<vmem>>, vector<16xi32>,
    %max3A_198 = arith.constant 0 : i32
    %max3A_199 = vector.broadcast %max3A_198 : i32 to vector<16xi32>
    %max3A_200 = arith.maxsi %get3A_197, %max3A_199 : vector<16xi32>
    %min3A_201 = arith.constant 96 : i32
    %min3A_202 = vector.broadcast %min3A_201 : i32 to vector<16xi32>
    %min3A_203 = arith.minsi %max3A_200, %min3A_202 : vector<16xi32>
    %add3A_204 = arith.constant 144 : i32
    %add3A_205 = arith.addi %mul3A_4, %add3A_204 : i32
    %swap3A_206 = arith.index_cast %add3A_205 : i32 to index
    %swap3A_207 = tpu.vector_load %arg16[%swap3A_206] {strides = array<i32>} : memref<3328xi32, #tpu.memory_space<vmem>>, vector<16xi32>,
    tpu.vector_store %arg16[%swap3A_206], %min3A_203 {strides = array<i32>} : memref<3328xi32, #tpu.memory_space<vmem>>, vector<16xi32>,
    %add3A_208 = arith.constant 144 : i32
    %add3A_209 = arith.addi %mul3A_4, %add3A_208 : i32
    %add3A_210 = vector.broadcast %add3A_209 : i32 to vector<16xi32>
    %add3A_211 = arith.addi %add3A_210, %iota3A : vector<16xi32>
    %swap3A_212 = arith.constant 144 : index
    %swap3A_213 = tpu.vector_load %arg18[%swap3A_212] {strides = array<i32>} : memref<208xi32, #tpu.memory_space<vmem>>, vector<16xi32>,
    tpu.vector_store %arg18[%swap3A_212], %add3A_211 {strides = array<i32>} : memref<208xi32, #tpu.memory_space<vmem>>, vector<16xi32>,
    %add3A_214 = arith.constant 160 : i32
    %add3A_215 = arith.addi %mul3A_4, %add3A_214 : i32
    %get3A_216 = arith.index_cast %add3A_215 : i32 to index
    %get3A_217 = tpu.vector_load %arg16[%get3A_216] {strides = array<i32>} : memref<3328xi32, #tpu.memory_space<vmem>>, vector<16xi32>,
    %max3A_218 = arith.constant 0 : i32
    %max3A_219 = vector.broadcast %max3A_218 : i32 to vector<16xi32>
    %max3A_220 = arith.maxsi %get3A_217, %max3A_219 : vector<16xi32>
    %min3A_221 = arith.constant 96 : i32
    %min3A_222 = vector.broadcast %min3A_221 : i32 to vector<16xi32>
    %min3A_223 = arith.minsi %max3A_220, %min3A_222 : vector<16xi32>
    %add3A_224 = arith.constant 160 : i32
    %add3A_225 = arith.addi %mul3A_4, %add3A_224 : i32
    %swap3A_226 = arith.index_cast %add3A_225 : i32 to index
    %swap3A_227 = tpu.vector_load %arg16[%swap3A_226] {strides = array<i32>} : memref<3328xi32, #tpu.memory_space<vmem>>, vector<16xi32>,
    tpu.vector_store %arg16[%swap3A_226], %min3A_223 {strides = array<i32>} : memref<3328xi32, #tpu.memory_space<vmem>>, vector<16xi32>,
    %add3A_228 = arith.constant 160 : i32
    %add3A_229 = arith.addi %mul3A_4, %add3A_228 : i32
    %add3A_230 = vector.broadcast %add3A_229 : i32 to vector<16xi32>
    %add3A_231 = arith.addi %add3A_230, %iota3A : vector<16xi32>
    %swap3A_232 = arith.constant 160 : index
    %swap3A_233 = tpu.vector_load %arg18[%swap3A_232] {strides = array<i32>} : memref<208xi32, #tpu.memory_space<vmem>>, vector<16xi32>,
    tpu.vector_store %arg18[%swap3A_232], %add3A_231 {strides = array<i32>} : memref<208xi32, #tpu.memory_space<vmem>>, vector<16xi32>,
    %add3A_234 = arith.constant 176 : i32
    %add3A_235 = arith.addi %mul3A_4, %add3A_234 : i32
    %get3A_236 = arith.index_cast %add3A_235 : i32 to index
    %get3A_237 = tpu.vector_load %arg16[%get3A_236] {strides = array<i32>} : memref<3328xi32, #tpu.memory_space<vmem>>, vector<16xi32>,
    %max3A_238 = arith.constant 0 : i32
    %max3A_239 = vector.broadcast %max3A_238 : i32 to vector<16xi32>
    %max3A_240 = arith.maxsi %get3A_237, %max3A_239 : vector<16xi32>
    %min3A_241 = arith.constant 96 : i32
    %min3A_242 = vector.broadcast %min3A_241 : i32 to vector<16xi32>
    %min3A_243 = arith.minsi %max3A_240, %min3A_242 : vector<16xi32>
    %add3A_244 = arith.constant 176 : i32
    %add3A_245 = arith.addi %mul3A_4, %add3A_244 : i32
    %swap3A_246 = arith.index_cast %add3A_245 : i32 to index
    %swap3A_247 = tpu.vector_load %arg16[%swap3A_246] {strides = array<i32>} : memref<3328xi32, #tpu.memory_space<vmem>>, vector<16xi32>,
    tpu.vector_store %arg16[%swap3A_246], %min3A_243 {strides = array<i32>} : memref<3328xi32, #tpu.memory_space<vmem>>, vector<16xi32>,
    %add3A_248 = arith.constant 176 : i32
    %add3A_249 = arith.addi %mul3A_4, %add3A_248 : i32
    %add3A_250 = vector.broadcast %add3A_249 : i32 to vector<16xi32>
    %add3A_251 = arith.addi %add3A_250, %iota3A : vector<16xi32>
    %swap3A_252 = arith.constant 176 : index
    %swap3A_253 = tpu.vector_load %arg18[%swap3A_252] {strides = array<i32>} : memref<208xi32, #tpu.memory_space<vmem>>, vector<16xi32>,
    tpu.vector_store %arg18[%swap3A_252], %add3A_251 {strides = array<i32>} : memref<208xi32, #tpu.memory_space<vmem>>, vector<16xi32>,
    %add3A_254 = arith.constant 192 : i32
    %add3A_255 = arith.addi %mul3A_4, %add3A_254 : i32
    %get3A_256 = arith.index_cast %add3A_255 : i32 to index
    %get3A_257 = tpu.vector_load %arg16[%get3A_256] {strides = array<i32>} : memref<3328xi32, #tpu.memory_space<vmem>>, vector<16xi32>,
    %max3A_258 = arith.constant 0 : i32
    %max3A_259 = vector.broadcast %max3A_258 : i32 to vector<16xi32>
    %max3A_260 = arith.maxsi %get3A_257, %max3A_259 : vector<16xi32>
    %min3A_261 = arith.constant 96 : i32
    %min3A_262 = vector.broadcast %min3A_261 : i32 to vector<16xi32>
    %min3A_263 = arith.minsi %max3A_260, %min3A_262 : vector<16xi32>
    %add3A_264 = arith.constant 192 : i32
    %add3A_265 = arith.addi %mul3A_4, %add3A_264 : i32
    %swap3A_266 = arith.index_cast %add3A_265 : i32 to index
    %swap3A_267 = tpu.vector_load %arg16[%swap3A_266] {strides = array<i32>} : memref<3328xi32, #tpu.memory_space<vmem>>, vector<16xi32>,
    tpu.vector_store %arg16[%swap3A_266], %min3A_263 {strides = array<i32>} : memref<3328xi32, #tpu.memory_space<vmem>>, vector<16xi32>,
    %add3A_268 = arith.constant 192 : i32
    %add3A_269 = arith.addi %mul3A_4, %add3A_268 : i32
    %add3A_270 = vector.broadcast %add3A_269 : i32 to vector<16xi32>
    %add3A_271 = arith.addi %add3A_270, %iota3A : vector<16xi32>
    %swap3A_272 = arith.constant 192 : index
    %swap3A_273 = tpu.vector_load %arg18[%swap3A_272] {strides = array<i32>} : memref<208xi32, #tpu.memory_space<vmem>>, vector<16xi32>,
    tpu.vector_store %arg18[%swap3A_272], %add3A_271 {strides = array<i32>} : memref<208xi32, #tpu.memory_space<vmem>>, vector<16xi32>,
    "tpu.trace_stop"() : () -> ()
    "tpu.trace_start"() <{level = 10 : i32, message = "ph_barrier1"}> : () -> ()
    %barrier3A = arith.constant 0 : index
    tpu.barrier barrier_id(%barrier3A)
    "tpu.trace_stop"() : () -> ()
    "tpu.trace_start"() <{level = 10 : i32, message = "ph_build"}> : () -> ()
    %dma_start3A = tpu.memref_slice %arg16[%mul3A_4] : memref<3328xi32, #tpu.memory_space<vmem>> -> memref<208xi32, #tpu.memory_space<vmem>>
    %dma_start3A_274 = arith.constant 0 : i32
    %dma_start3A_275 = tpu.memref_slice %arg21[%dma_start3A_274] : memref<97xi32, #tpu.memory_space<vmem_shared>> -> memref<97xi32, #tpu.memory_space<vmem_shared>>
    tpu.enqueue_indirect_dma source(%dma_start3A_275 : memref<97xi32, #tpu.memory_space<vmem_shared>>) target(%arg17 : memref<208xi32, #tpu.memory_space<vmem>>) offsets(%dma_start3A : memref<208xi32, #tpu.memory_space<vmem>>) semaphore(%arg24 : memref<!tpu.dma_semaphore, #tpu.memory_space<semaphore_mem>>)
    %dma_wait3A = tpu.memref_slice %arg16[%mul3A_4] : memref<3328xi32, #tpu.memory_space<vmem>> -> memref<208xi32, #tpu.memory_space<vmem>>
    %dma_wait3A_276 = arith.constant 0 : i32
    %dma_wait3A_277 = tpu.memref_slice %arg21[%dma_wait3A_276] : memref<97xi32, #tpu.memory_space<vmem_shared>> -> memref<97xi32, #tpu.memory_space<vmem_shared>>
    tpu.wait_indirect_dma semaphore(%arg24 : memref<!tpu.dma_semaphore, #tpu.memory_space<semaphore_mem>>) src(%dma_wait3A_277 : memref<97xi32, #tpu.memory_space<vmem_shared>>) dst(%arg17 : memref<208xi32, #tpu.memory_space<vmem>>)
    %get3A_278 = arith.constant 0 : index
    %get3A_279 = tpu.vector_load %arg17[%get3A_278] {strides = array<i32>} : memref<208xi32, #tpu.memory_space<vmem>>, vector<16xi32>,
    %max3A_280 = arith.constant 0 : i32
    %max3A_281 = vector.broadcast %max3A_280 : i32 to vector<16xi32>
    %max3A_282 = arith.maxsi %get3A_279, %max3A_281 : vector<16xi32>
    %min3A_283 = arith.constant 2 : i32
    %min3A_284 = vector.broadcast %min3A_283 : i32 to vector<16xi32>
    %min3A_285 = arith.minsi %max3A_282, %min3A_284 : vector<16xi32>
    %swap3A_286 = arith.constant 0 : index
    %swap3A_287 = tpu.vector_load %arg17[%swap3A_286] {strides = array<i32>} : memref<208xi32, #tpu.memory_space<vmem>>, vector<16xi32>,
    tpu.vector_store %arg17[%swap3A_286], %min3A_285 {strides = array<i32>} : memref<208xi32, #tpu.memory_space<vmem>>, vector<16xi32>,
    %get3A_288 = arith.constant 16 : index
    %get3A_289 = tpu.vector_load %arg17[%get3A_288] {strides = array<i32>} : memref<208xi32, #tpu.memory_space<vmem>>, vector<16xi32>,
    %max3A_290 = arith.constant 0 : i32
    %max3A_291 = vector.broadcast %max3A_290 : i32 to vector<16xi32>
    %max3A_292 = arith.maxsi %get3A_289, %max3A_291 : vector<16xi32>
    %min3A_293 = arith.constant 2 : i32
    %min3A_294 = vector.broadcast %min3A_293 : i32 to vector<16xi32>
    %min3A_295 = arith.minsi %max3A_292, %min3A_294 : vector<16xi32>
    %swap3A_296 = arith.constant 16 : index
    %swap3A_297 = tpu.vector_load %arg17[%swap3A_296] {strides = array<i32>} : memref<208xi32, #tpu.memory_space<vmem>>, vector<16xi32>,
    tpu.vector_store %arg17[%swap3A_296], %min3A_295 {strides = array<i32>} : memref<208xi32, #tpu.memory_space<vmem>>, vector<16xi32>,
    %get3A_298 = arith.constant 32 : index
    %get3A_299 = tpu.vector_load %arg17[%get3A_298] {strides = array<i32>} : memref<208xi32, #tpu.memory_space<vmem>>, vector<16xi32>,
    %max3A_300 = arith.constant 0 : i32
    %max3A_301 = vector.broadcast %max3A_300 : i32 to vector<16xi32>
    %max3A_302 = arith.maxsi %get3A_299, %max3A_301 : vector<16xi32>
    %min3A_303 = arith.constant 2 : i32
    %min3A_304 = vector.broadcast %min3A_303 : i32 to vector<16xi32>
    %min3A_305 = arith.minsi %max3A_302, %min3A_304 : vector<16xi32>
    %swap3A_306 = arith.constant 32 : index
    %swap3A_307 = tpu.vector_load %arg17[%swap3A_306] {strides = array<i32>} : memref<208xi32, #tpu.memory_space<vmem>>, vector<16xi32>,
    tpu.vector_store %arg17[%swap3A_306], %min3A_305 {strides = array<i32>} : memref<208xi32, #tpu.memory_space<vmem>>, vector<16xi32>,
    %get3A_308 = arith.constant 48 : index
    %get3A_309 = tpu.vector_load %arg17[%get3A_308] {strides = array<i32>} : memref<208xi32, #tpu.memory_space<vmem>>, vector<16xi32>,
    %max3A_310 = arith.constant 0 : i32
    %max3A_311 = vector.broadcast %max3A_310 : i32 to vector<16xi32>
    %max3A_312 = arith.maxsi %get3A_309, %max3A_311 : vector<16xi32>
    %min3A_313 = arith.constant 2 : i32
    %min3A_314 = vector.broadcast %min3A_313 : i32 to vector<16xi32>
    %min3A_315 = arith.minsi %max3A_312, %min3A_314 : vector<16xi32>
    %swap3A_316 = arith.constant 48 : index
    %swap3A_317 = tpu.vector_load %arg17[%swap3A_316] {strides = array<i32>} : memref<208xi32, #tpu.memory_space<vmem>>, vector<16xi32>,
    tpu.vector_store %arg17[%swap3A_316], %min3A_315 {strides = array<i32>} : memref<208xi32, #tpu.memory_space<vmem>>, vector<16xi32>,
    %get3A_318 = arith.constant 64 : index
    %get3A_319 = tpu.vector_load %arg17[%get3A_318] {strides = array<i32>} : memref<208xi32, #tpu.memory_space<vmem>>, vector<16xi32>,
    %max3A_320 = arith.constant 0 : i32
    %max3A_321 = vector.broadcast %max3A_320 : i32 to vector<16xi32>
    %max3A_322 = arith.maxsi %get3A_319, %max3A_321 : vector<16xi32>
    %min3A_323 = arith.constant 2 : i32
    %min3A_324 = vector.broadcast %min3A_323 : i32 to vector<16xi32>
    %min3A_325 = arith.minsi %max3A_322, %min3A_324 : vector<16xi32>
    %swap3A_326 = arith.constant 64 : index
    %swap3A_327 = tpu.vector_load %arg17[%swap3A_326] {strides = array<i32>} : memref<208xi32, #tpu.memory_space<vmem>>, vector<16xi32>,
    tpu.vector_store %arg17[%swap3A_326], %min3A_325 {strides = array<i32>} : memref<208xi32, #tpu.memory_space<vmem>>, vector<16xi32>,
    %get3A_328 = arith.constant 80 : index
    %get3A_329 = tpu.vector_load %arg17[%get3A_328] {strides = array<i32>} : memref<208xi32, #tpu.memory_space<vmem>>, vector<16xi32>,
    %max3A_330 = arith.constant 0 : i32
    %max3A_331 = vector.broadcast %max3A_330 : i32 to vector<16xi32>
    %max3A_332 = arith.maxsi %get3A_329, %max3A_331 : vector<16xi32>
    %min3A_333 = arith.constant 2 : i32
    %min3A_334 = vector.broadcast %min3A_333 : i32 to vector<16xi32>
    %min3A_335 = arith.minsi %max3A_332, %min3A_334 : vector<16xi32>
    %swap3A_336 = arith.constant 80 : index
    %swap3A_337 = tpu.vector_load %arg17[%swap3A_336] {strides = array<i32>} : memref<208xi32, #tpu.memory_space<vmem>>, vector<16xi32>,
    tpu.vector_store %arg17[%swap3A_336], %min3A_335 {strides = array<i32>} : memref<208xi32, #tpu.memory_space<vmem>>, vector<16xi32>,
    %get3A_338 = arith.constant 96 : index
    %get3A_339 = tpu.vector_load %arg17[%get3A_338] {strides = array<i32>} : memref<208xi32, #tpu.memory_space<vmem>>, vector<16xi32>,
    %max3A_340 = arith.constant 0 : i32
    %max3A_341 = vector.broadcast %max3A_340 : i32 to vector<16xi32>
    %max3A_342 = arith.maxsi %get3A_339, %max3A_341 : vector<16xi32>
    %min3A_343 = arith.constant 2 : i32
    %min3A_344 = vector.broadcast %min3A_343 : i32 to vector<16xi32>
    %min3A_345 = arith.minsi %max3A_342, %min3A_344 : vector<16xi32>
    %swap3A_346 = arith.constant 96 : index
    %swap3A_347 = tpu.vector_load %arg17[%swap3A_346] {strides = array<i32>} : memref<208xi32, #tpu.memory_space<vmem>>, vector<16xi32>,
    tpu.vector_store %arg17[%swap3A_346], %min3A_345 {strides = array<i32>} : memref<208xi32, #tpu.memory_space<vmem>>, vector<16xi32>,
    %get3A_348 = arith.constant 112 : index
    %get3A_349 = tpu.vector_load %arg17[%get3A_348] {strides = array<i32>} : memref<208xi32, #tpu.memory_space<vmem>>, vector<16xi32>,
    %max3A_350 = arith.constant 0 : i32
    %max3A_351 = vector.broadcast %max3A_350 : i32 to vector<16xi32>
    %max3A_352 = arith.maxsi %get3A_349, %max3A_351 : vector<16xi32>
    %min3A_353 = arith.constant 2 : i32
    %min3A_354 = vector.broadcast %min3A_353 : i32 to vector<16xi32>
    %min3A_355 = arith.minsi %max3A_352, %min3A_354 : vector<16xi32>
    %swap3A_356 = arith.constant 112 : index
    %swap3A_357 = tpu.vector_load %arg17[%swap3A_356] {strides = array<i32>} : memref<208xi32, #tpu.memory_space<vmem>>, vector<16xi32>,
    tpu.vector_store %arg17[%swap3A_356], %min3A_355 {strides = array<i32>} : memref<208xi32, #tpu.memory_space<vmem>>, vector<16xi32>,
    %get3A_358 = arith.constant 128 : index
    %get3A_359 = tpu.vector_load %arg17[%get3A_358] {strides = array<i32>} : memref<208xi32, #tpu.memory_space<vmem>>, vector<16xi32>,
    %max3A_360 = arith.constant 0 : i32
    %max3A_361 = vector.broadcast %max3A_360 : i32 to vector<16xi32>
    %max3A_362 = arith.maxsi %get3A_359, %max3A_361 : vector<16xi32>
    %min3A_363 = arith.constant 2 : i32
    %min3A_364 = vector.broadcast %min3A_363 : i32 to vector<16xi32>
    %min3A_365 = arith.minsi %max3A_362, %min3A_364 : vector<16xi32>
    %swap3A_366 = arith.constant 128 : index
    %swap3A_367 = tpu.vector_load %arg17[%swap3A_366] {strides = array<i32>} : memref<208xi32, #tpu.memory_space<vmem>>, vector<16xi32>,
    tpu.vector_store %arg17[%swap3A_366], %min3A_365 {strides = array<i32>} : memref<208xi32, #tpu.memory_space<vmem>>, vector<16xi32>,
    %get3A_368 = arith.constant 144 : index
    %get3A_369 = tpu.vector_load %arg17[%get3A_368] {strides = array<i32>} : memref<208xi32, #tpu.memory_space<vmem>>, vector<16xi32>,
    %max3A_370 = arith.constant 0 : i32
    %max3A_371 = vector.broadcast %max3A_370 : i32 to vector<16xi32>
    %max3A_372 = arith.maxsi %get3A_369, %max3A_371 : vector<16xi32>
    %min3A_373 = arith.constant 2 : i32
    %min3A_374 = vector.broadcast %min3A_373 : i32 to vector<16xi32>
    %min3A_375 = arith.minsi %max3A_372, %min3A_374 : vector<16xi32>
    %swap3A_376 = arith.constant 144 : index
    %swap3A_377 = tpu.vector_load %arg17[%swap3A_376] {strides = array<i32>} : memref<208xi32, #tpu.memory_space<vmem>>, vector<16xi32>,
    tpu.vector_store %arg17[%swap3A_376], %min3A_375 {strides = array<i32>} : memref<208xi32, #tpu.memory_space<vmem>>, vector<16xi32>,
    %get3A_378 = arith.constant 160 : index
    %get3A_379 = tpu.vector_load %arg17[%get3A_378] {strides = array<i32>} : memref<208xi32, #tpu.memory_space<vmem>>, vector<16xi32>,
    %max3A_380 = arith.constant 0 : i32
    %max3A_381 = vector.broadcast %max3A_380 : i32 to vector<16xi32>
    %max3A_382 = arith.maxsi %get3A_379, %max3A_381 : vector<16xi32>
    %min3A_383 = arith.constant 2 : i32
    %min3A_384 = vector.broadcast %min3A_383 : i32 to vector<16xi32>
    %min3A_385 = arith.minsi %max3A_382, %min3A_384 : vector<16xi32>
    %swap3A_386 = arith.constant 160 : index
    %swap3A_387 = tpu.vector_load %arg17[%swap3A_386] {strides = array<i32>} : memref<208xi32, #tpu.memory_space<vmem>>, vector<16xi32>,
    tpu.vector_store %arg17[%swap3A_386], %min3A_385 {strides = array<i32>} : memref<208xi32, #tpu.memory_space<vmem>>, vector<16xi32>,
    %get3A_388 = arith.constant 176 : index
    %get3A_389 = tpu.vector_load %arg17[%get3A_388] {strides = array<i32>} : memref<208xi32, #tpu.memory_space<vmem>>, vector<16xi32>,
    %max3A_390 = arith.constant 0 : i32
    %max3A_391 = vector.broadcast %max3A_390 : i32 to vector<16xi32>
    %max3A_392 = arith.maxsi %get3A_389, %max3A_391 : vector<16xi32>
    %min3A_393 = arith.constant 2 : i32
    %min3A_394 = vector.broadcast %min3A_393 : i32 to vector<16xi32>
    %min3A_395 = arith.minsi %max3A_392, %min3A_394 : vector<16xi32>
    %swap3A_396 = arith.constant 176 : index
    %swap3A_397 = tpu.vector_load %arg17[%swap3A_396] {strides = array<i32>} : memref<208xi32, #tpu.memory_space<vmem>>, vector<16xi32>,
    tpu.vector_store %arg17[%swap3A_396], %min3A_395 {strides = array<i32>} : memref<208xi32, #tpu.memory_space<vmem>>, vector<16xi32>,
    %get3A_398 = arith.constant 192 : index
    %get3A_399 = tpu.vector_load %arg17[%get3A_398] {strides = array<i32>} : memref<208xi32, #tpu.memory_space<vmem>>, vector<16xi32>,
    %max3A_400 = arith.constant 0 : i32
    %max3A_401 = vector.broadcast %max3A_400 : i32 to vector<16xi32>
    %max3A_402 = arith.maxsi %get3A_399, %max3A_401 : vector<16xi32>
    %min3A_403 = arith.constant 2 : i32
    %min3A_404 = vector.broadcast %min3A_403 : i32 to vector<16xi32>
    %min3A_405 = arith.minsi %max3A_402, %min3A_404 : vector<16xi32>
    %swap3A_406 = arith.constant 192 : index
    %swap3A_407 = tpu.vector_load %arg17[%swap3A_406] {strides = array<i32>} : memref<208xi32, #tpu.memory_space<vmem>>, vector<16xi32>,
    tpu.vector_store %arg17[%swap3A_406], %min3A_405 {strides = array<i32>} : memref<208xi32, #tpu.memory_space<vmem>>, vector<16xi32>,
    %dma_start3A_408 = tpu.memref_slice %arg16[%mul3A_4] : memref<3328xi32, #tpu.memory_space<vmem>> -> memref<208xi32, #tpu.memory_space<vmem>>
    %dma_start3A_409 = arith.constant 0 : i32
    %dma_start3A_410 = arith.constant 0 : i32
    %dma_start3A_411 = tpu.memref_slice %arg22[%dma_start3A_409, %dma_start3A_410] : memref<97x64xf32, #tpu.memory_space<vmem_shared>> -> memref<97x64xf32, #tpu.memory_space<vmem_shared>>
    tpu.enqueue_indirect_dma source(%dma_start3A_411 : memref<97x64xf32, #tpu.memory_space<vmem_shared>>) target(%arg14 : memref<208x64xf32, #tpu.memory_space<vmem>>) offsets(%dma_start3A_408 : memref<208xi32, #tpu.memory_space<vmem>>) semaphore(%arg24 : memref<!tpu.dma_semaphore, #tpu.memory_space<semaphore_mem>>)
    %dma_start3A_412 = arith.constant 0 : i32
    %dma_start3A_413 = arith.constant 0 : i32
    %dma_start3A_414 = tpu.memref_slice %arg23[%dma_start3A_412, %dma_start3A_413] : memref<3x64xf32, #tpu.memory_space<vmem_shared>> -> memref<3x64xf32, #tpu.memory_space<vmem_shared>>
    tpu.enqueue_indirect_dma source(%dma_start3A_414 : memref<3x64xf32, #tpu.memory_space<vmem_shared>>) target(%arg15 : memref<208x64xf32, #tpu.memory_space<vmem>>) offsets(%arg17 : memref<208xi32, #tpu.memory_space<vmem>>) semaphore(%arg24 : memref<!tpu.dma_semaphore, #tpu.memory_space<semaphore_mem>>)
    %dma_wait3A_415 = tpu.memref_slice %arg16[%mul3A_4] : memref<3328xi32, #tpu.memory_space<vmem>> -> memref<208xi32, #tpu.memory_space<vmem>>
    %dma_wait3A_416 = arith.constant 0 : i32
    %dma_wait3A_417 = arith.constant 0 : i32
    %dma_wait3A_418 = tpu.memref_slice %arg22[%dma_wait3A_416, %dma_wait3A_417] : memref<97x64xf32, #tpu.memory_space<vmem_shared>> -> memref<97x64xf32, #tpu.memory_space<vmem_shared>>
    tpu.wait_indirect_dma semaphore(%arg24 : memref<!tpu.dma_semaphore, #tpu.memory_space<semaphore_mem>>) src(%dma_wait3A_418 : memref<97x64xf32, #tpu.memory_space<vmem_shared>>) dst(%arg14 : memref<208x64xf32, #tpu.memory_space<vmem>>)
    %dma_wait3A_419 = arith.constant 0 : i32
    %dma_wait3A_420 = arith.constant 0 : i32
    %dma_wait3A_421 = tpu.memref_slice %arg23[%dma_wait3A_419, %dma_wait3A_420] : memref<3x64xf32, #tpu.memory_space<vmem_shared>> -> memref<3x64xf32, #tpu.memory_space<vmem_shared>>
    tpu.wait_indirect_dma semaphore(%arg24 : memref<!tpu.dma_semaphore, #tpu.memory_space<semaphore_mem>>) src(%dma_wait3A_421 : memref<3x64xf32, #tpu.memory_space<vmem_shared>>) dst(%arg15 : memref<208x64xf32, #tpu.memory_space<vmem>>)
    "tpu.region"() ({
      %run_scoped3A = tpu.sem_alloc : memref<!tpu.dma_semaphore, #tpu.memory_space<semaphore_mem>>
      %dma_start3A_433 = arith.constant 0 : i32
      %dma_start3A_434 = tpu.memref_slice %arg20[%mul3A_4, %dma_start3A_433] : memref<3328x64xf32, #tpu.memory_space<vmem_shared>> -> memref<208x64xf32, #tpu.memory_space<vmem_shared>>
      %dma_start3A_435 = arith.constant 0 : i32
      %dma_start3A_436 = tpu.memref_slice %arg20[%mul3A_4, %dma_start3A_435] : memref<3328x64xf32, #tpu.memory_space<vmem_shared>> -> memref<208x64xf32, #tpu.memory_space<vmem_shared>>
      tpu.enqueue_dma source(%arg13 : memref<208x64xf32, #tpu.memory_space<vmem>>) target(%dma_start3A_436 : memref<208x64xf32, #tpu.memory_space<vmem_shared>>) target_semaphore(%run_scoped3A : memref<!tpu.dma_semaphore, #tpu.memory_space<semaphore_mem>>)
      %dma_wait3A_437 = arith.constant 0 : i32
      %dma_wait3A_438 = tpu.memref_slice %arg20[%mul3A_4, %dma_wait3A_437] : memref<3328x64xf32, #tpu.memory_space<vmem_shared>> -> memref<208x64xf32, #tpu.memory_space<vmem_shared>>
      %dma_wait3A_439 = arith.constant 0 : i32
      %dma_wait3A_440 = tpu.memref_slice %arg20[%mul3A_4, %dma_wait3A_439] : memref<3328x64xf32, #tpu.memory_space<vmem_shared>> -> memref<208x64xf32, #tpu.memory_space<vmem_shared>>
      tpu.wait_dma2 semaphore(%run_scoped3A : memref<!tpu.dma_semaphore, #tpu.memory_space<semaphore_mem>>) src(%arg13 : memref<208x64xf32, #tpu.memory_space<vmem>>) dst(%dma_wait3A_440 : memref<208x64xf32, #tpu.memory_space<vmem_shared>>)
      tpu.yield
    }) : () -> ()
    "tpu.region"() ({
      %run_scoped3A = tpu.sem_alloc : memref<!tpu.dma_semaphore, #tpu.memory_space<semaphore_mem>>
      %dma_start3A_433 = arith.constant 0 : i32
      %dma_start3A_434 = arith.constant 0 : i32
      %dma_start3A_435 = tpu.memref_slice %arg20[%dma_start3A_433, %dma_start3A_434] : memref<3328x64xf32, #tpu.memory_space<vmem_shared>> -> memref<3328x64xf32, #tpu.memory_space<vmem_shared>>
      tpu.enqueue_indirect_dma source(%arg14 : memref<208x64xf32, #tpu.memory_space<vmem>>) target(%dma_start3A_435 : memref<3328x64xf32, #tpu.memory_space<vmem_shared>>) offsets(%arg18 : memref<208xi32, #tpu.memory_space<vmem>>) semaphore(%run_scoped3A : memref<!tpu.dma_semaphore, #tpu.memory_space<semaphore_mem>>) {add = true}
      %dma_wait3A_436 = arith.constant 0 : i32
      %dma_wait3A_437 = arith.constant 0 : i32
      %dma_wait3A_438 = tpu.memref_slice %arg20[%dma_wait3A_436, %dma_wait3A_437] : memref<3328x64xf32, #tpu.memory_space<vmem_shared>> -> memref<3328x64xf32, #tpu.memory_space<vmem_shared>>
      tpu.wait_indirect_dma semaphore(%run_scoped3A : memref<!tpu.dma_semaphore, #tpu.memory_space<semaphore_mem>>) src(%arg14 : memref<208x64xf32, #tpu.memory_space<vmem>>) dst(%dma_wait3A_438 : memref<3328x64xf32, #tpu.memory_space<vmem_shared>>)
      tpu.yield
    }) : () -> ()
    "tpu.region"() ({
      %run_scoped3A = tpu.sem_alloc : memref<!tpu.dma_semaphore, #tpu.memory_space<semaphore_mem>>
      %dma_start3A_433 = arith.constant 0 : i32
      %dma_start3A_434 = arith.constant 0 : i32
      %dma_start3A_435 = tpu.memref_slice %arg20[%dma_start3A_433, %dma_start3A_434] : memref<3328x64xf32, #tpu.memory_space<vmem_shared>> -> memref<3328x64xf32, #tpu.memory_space<vmem_shared>>
      tpu.enqueue_indirect_dma source(%arg15 : memref<208x64xf32, #tpu.memory_space<vmem>>) target(%dma_start3A_435 : memref<3328x64xf32, #tpu.memory_space<vmem_shared>>) offsets(%arg18 : memref<208xi32, #tpu.memory_space<vmem>>) semaphore(%run_scoped3A : memref<!tpu.dma_semaphore, #tpu.memory_space<semaphore_mem>>) {add = true}
      %dma_wait3A_436 = arith.constant 0 : i32
      %dma_wait3A_437 = arith.constant 0 : i32
      %dma_wait3A_438 = tpu.memref_slice %arg20[%dma_wait3A_436, %dma_wait3A_437] : memref<3328x64xf32, #tpu.memory_space<vmem_shared>> -> memref<3328x64xf32, #tpu.memory_space<vmem_shared>>
      tpu.wait_indirect_dma semaphore(%run_scoped3A : memref<!tpu.dma_semaphore, #tpu.memory_space<semaphore_mem>>) src(%arg15 : memref<208x64xf32, #tpu.memory_space<vmem>>) dst(%dma_wait3A_438 : memref<3328x64xf32, #tpu.memory_space<vmem_shared>>)
      tpu.yield
    }) : () -> ()
    "tpu.trace_stop"() : () -> ()
    "tpu.trace_start"() <{level = 10 : i32, message = "ph_barrier2"}> : () -> ()
    %barrier3A_422 = arith.constant 0 : index
    tpu.barrier barrier_id(%barrier3A_422)
    "tpu.trace_stop"() : () -> ()
    "tpu.trace_start"() <{level = 10 : i32, message = "ph_chain"}> : () -> ()
    %dma_start3A_423 = arith.constant 0 : i32
    %dma_start3A_424 = tpu.memref_slice %arg19[%dma_start3A_423] : memref<100096xi32, #tpu.memory_space<vmem_shared>> -> memref<100096xi32, #tpu.memory_space<vmem_shared>>
    tpu.enqueue_indirect_dma source(%dma_start3A_424 : memref<100096xi32, #tpu.memory_space<vmem_shared>>) target(%arg11 : memref<128xi32, #tpu.memory_space<vmem>>) offsets(%arg10 : memref<128xi32, #tpu.memory_space<vmem>>) semaphore(%arg24 : memref<!tpu.dma_semaphore, #tpu.memory_space<semaphore_mem>>)
    %dma_wait3A_425 = arith.constant 0 : i32
    %dma_wait3A_426 = tpu.memref_slice %arg19[%dma_wait3A_425] : memref<100096xi32, #tpu.memory_space<vmem_shared>> -> memref<100096xi32, #tpu.memory_space<vmem_shared>>
    tpu.wait_indirect_dma semaphore(%arg24 : memref<!tpu.dma_semaphore, #tpu.memory_space<semaphore_mem>>) src(%dma_wait3A_426 : memref<100096xi32, #tpu.memory_space<vmem_shared>>) dst(%arg11 : memref<128xi32, #tpu.memory_space<vmem>>)
    %dma_start3A_427 = arith.constant 0 : i32
    %dma_start3A_428 = arith.constant 0 : i32
    %dma_start3A_429 = tpu.memref_slice %arg20[%dma_start3A_427, %dma_start3A_428] : memref<3328x64xf32, #tpu.memory_space<vmem_shared>> -> memref<3328x64xf32, #tpu.memory_space<vmem_shared>>
    tpu.enqueue_indirect_dma source(%dma_start3A_429 : memref<3328x64xf32, #tpu.memory_space<vmem_shared>>) target(%arg12 : memref<128x64xf32, #tpu.memory_space<vmem>>) offsets(%arg11 : memref<128xi32, #tpu.memory_space<vmem>>) semaphore(%arg24 : memref<!tpu.dma_semaphore, #tpu.memory_space<semaphore_mem>>)
    %dma_wait3A_430 = arith.constant 0 : i32
    %dma_wait3A_431 = arith.constant 0 : i32
    %dma_wait3A_432 = tpu.memref_slice %arg20[%dma_wait3A_430, %dma_wait3A_431] : memref<3328x64xf32, #tpu.memory_space<vmem_shared>> -> memref<3328x64xf32, #tpu.memory_space<vmem_shared>>
    tpu.wait_indirect_dma semaphore(%arg24 : memref<!tpu.dma_semaphore, #tpu.memory_space<semaphore_mem>>) src(%dma_wait3A_432 : memref<3328x64xf32, #tpu.memory_space<vmem_shared>>) dst(%arg12 : memref<128x64xf32, #tpu.memory_space<vmem>>)
    "tpu.trace_stop"() : () -> ()
    "tpu.trace_start"() <{level = 10 : i32, message = "ph_outA"}> : () -> ()
    "tpu.region"() ({
      %run_scoped3A = tpu.sem_alloc : memref<!tpu.dma_semaphore, #tpu.memory_space<semaphore_mem>>
      %dma_start3A_433 = arith.constant 0 : i32
      %dma_start3A_434 = tpu.memref_slice %arg9[%mul3A_2, %dma_start3A_433] : memref<4096x64xf32, #tpu.memory_space<hbm>> -> memref<128x64xf32, #tpu.memory_space<hbm>>
      %dma_start3A_435 = arith.constant 0 : i32
      %dma_start3A_436 = tpu.memref_slice %arg9[%mul3A_2, %dma_start3A_435] : memref<4096x64xf32, #tpu.memory_space<hbm>> -> memref<128x64xf32, #tpu.memory_space<hbm>>
      tpu.enqueue_dma source(%arg12 : memref<128x64xf32, #tpu.memory_space<vmem>>) target(%dma_start3A_436 : memref<128x64xf32, #tpu.memory_space<hbm>>) target_semaphore(%run_scoped3A : memref<!tpu.dma_semaphore, #tpu.memory_space<semaphore_mem>>)
      %dma_wait3A_437 = arith.constant 0 : i32
      %dma_wait3A_438 = tpu.memref_slice %arg9[%mul3A_2, %dma_wait3A_437] : memref<4096x64xf32, #tpu.memory_space<hbm>> -> memref<128x64xf32, #tpu.memory_space<hbm>>
      %dma_wait3A_439 = arith.constant 0 : i32
      %dma_wait3A_440 = tpu.memref_slice %arg9[%mul3A_2, %dma_wait3A_439] : memref<4096x64xf32, #tpu.memory_space<hbm>> -> memref<128x64xf32, #tpu.memory_space<hbm>>
      tpu.wait_dma2 semaphore(%run_scoped3A : memref<!tpu.dma_semaphore, #tpu.memory_space<semaphore_mem>>) src(%arg12 : memref<128x64xf32, #tpu.memory_space<vmem>>) dst(%dma_wait3A_440 : memref<128x64xf32, #tpu.memory_space<hbm>>)
      tpu.yield
    }) : () -> ()
    "tpu.trace_stop"() : () -> ()
    return
  }
}

</mosaic_0001>

<sc_bundles>
// kernel: kernel.4.cloned.1.call-start
scs
__scs_entry_jumppad:
0x0: {  	(pc) =	sbr.rel $0x88, $3  }
0x1: {  	(tag) =	ssettag $0x0;
	lr =	simm.s32 $0x1  }
0x2: {  	[smem:$0x3F99] =	sst lr;
	_ =	strace $0xD0000000  }
0x3: {  	_ = 	snop  }
0x4: {  	_ = 	snop  }
0x5: {  	_ = 	snop  }
0x6: {  	_ = 	snop  }
0x7: {  	_ = 	snop  }
__scs_overlays_trampoline_lowered:
0x8: {  	[smem:$0x3FA8] =	sst s0  }
0x9: {  	[smem:$0x3FA9] =	sst s1  }
0xa: {  	[smem:$0x3FAA] =	sst s2  }
0xb: {  	[smem:$0x3FAB] =	sst s3  }
0xc: {  	[smem:$0x3FAC] =	sst s4  }
0xd: {  	[smem:$0x3FAD] =	sst s5  }
0xe: {  	[smem:$0x3FAE] =	sst s6  }
0xf: {  	[smem:$0x3FAF] =	sst s7  }
0x10: {  	[smem:$0x3FB0] =	sst s8  }
0x11: {  	[smem:$0x3FB1] =	sst s9;
	s0 =	simm.s32 @!p0 $0x0  }
0x12: {  	s1 =	sld [smem:$0x3F97];
	s0 =	simm.s32 @p0 $0x1  }
0x13: {  	[smem:$0x3FB2] =	sst s0;
	s0 =	simm.s32 @!p1 $0x0  }
0x14: {  	s2 =	sld [smem:$0x3F96];
	s0 =	simm.s32 @p1 $0x1  }
0x15: {  	[smem:$0x3FB3] =	sst s0;
	s0 =	simm.s32 @!p2 $0x0  }
0x16: {  	s3 =	sld [smem:$0x3FDB];
	s0 =	simm.s32 @p2 $0x1  }
0x17: {  	s4 =	simm.s32 $0x1BF5;
	[smem:$0x3FB5] =	sst s0  }
0x18: {  	s0 =	sld [smem:$0x3F98];
	_ =	swait.ge [sflag:s4], $0x0  }
0x19: {  	s7 =	sld [smem:$0x3F99]  }
0x1a: {  	s8 =	sadd.s32 $0xFFFFE003, lr  }
0x1b: {  	s9 =	sadd.s32 $0xFFFFFEF7, lr;
	s5 =	simm.s32 $0xFFFFFFFF;
	p2 =	slt.u32 s8, $0xFFFFF086  }
0x1c: {  	p1 =	slt.u32 s9, $0xF7A;
	s5 =	simm.s32 @!p2 $0x0  }
0x1d: {  	s5 =	simm.s32 @p1 $0x1;
	p0 =	seq.s32 s7, s2  }
0x1e: {  	s7 =	smul.u32 @!p0 $0xF7A, s2;
	p2 =	seq.s32 @!p0 s5, $0x0  }
0x1f: {  	s9 =	smul.u32 $0xF7A, s1;
	s8 =	simm.s32 @!p0 $0x1BF5;
	p2 =	por !p2, p0  }
0x20: {  	[sflag:s8] =	ssyncset.s32 @!p0 $0xFFFFF086;
	s6 =	sadd.s32 @!p0 s3, s7;
	s7 =	simm.s32 @!p0 $0x108  }
0x21: {  	s3 =	sadd.s32 s3, s9;
	s6 =	sadd.s32 @!p0 $0x88, s6;
	s7 =	simm.s32 @p2 $0x1082  }
0x22: {  	[simem:s7], [sflag:s8] =	dma.local @!p0 [hbm:s6], $0xF7A  }
0x23: {  	s9 =	sor.u32 $0xD0000000, s2;
	s6 =	simm.s32 $0x108;
	_ =	swait.ge @!p0 [sflag:s8], $0x0  }
0x24: {  	s3 =	sadd.s32 $0x88, s3;
	s6 =	simm.s32 @!p1 $0x1082;
	[sflag:s4] =	ssyncset.s32 $0xFFFFF086  }
0x25: {  	[simem:s6], [sflag:s4] =	dma.local [hbm:s3], $0xF7A  }
0x26: {  	[smem:$0x3F99] =	sst s1;
	(tag) =	ssettag s2;
	_ =	strace s9  }
0x27: {  	s1 =	sld [smem:$0x3FA9]  }
0x28: {  	s2 =	sld [smem:$0x3FAA]  }
0x29: {  	s4 =	sld [smem:$0x3FAC]  }
0x2a: {  	p0 =	seq.s32 s5, $0x0;
	s5 =	sld [smem:$0x3FAD]  }
0x2b: {  	s6 =	sld [smem:$0x3FAE]  }
0x2c: {  	s7 =	sld [smem:$0x3FAF]  }
0x2d: {  	s3 =	simm.s32 $0x108;
	s8 =	sld [smem:$0x3FB0]  }
0x2e: {  	s3 =	simm.s32 @!p0 $0x1082;
	s9 =	sld [smem:$0x3FB1]  }
0x2f: {  	lr =	sadd.s32 s0, s3;
	s0 =	sld [smem:$0x3FA8]  }
0x30: {  	s3 =	sld [smem:$0x3FAB]  }
0x31: {  	[smem:$0x3FB4] =	sst s10  }
0x32: {  	s10 =	sld [smem:$0x3FB2];
	_ =	sdelay $0x3  }
0x33: {  	p0 =	seq.s32 s10, $0x1;
	s10 =	sld [smem:$0x3FB4];
	_ =	sdelay $0x3  }
0x34: {  	[smem:$0x3FB4] =	sst s10  }
0x35: {  	s10 =	sld [smem:$0x3FB3];
	_ =	sdelay $0x3  }
0x36: {  	p1 =	seq.s32 s10, $0x1;
	s10 =	sld [smem:$0x3FB4];
	_ =	sdelay $0x3  }
0x37: {  	[smem:$0x3FB4] =	sst s10  }
0x38: {  	s10 =	sld [smem:$0x3FB5]  }
0x39: {  	_ = 	snop;
	(pc) =	sbr.ind lr, $3  }
0x3a: {  	_ = 	snop  }
0x3b: {  	_ = 	snop  }
0x3c: {  	p2 =	seq.s32 s10, $0x1;
	s10 =	sld [smem:$0x3FB4]  }
0x3d: {  	_ =	shalt  }
0x3e: {  	_ =	shalt  }
0x3f: {  	_ =	shalt  }
0x40: {  	_ =	shalt  }
0x41: {  	_ =	shalt  }
0x42: {  	_ =	shalt  }
0x43: {  	_ =	shalt  }
0x44: {  	_ =	shalt  }
0x45: {  	_ =	shalt  }
0x46: {  	_ =	shalt  }
0x47: {  	_ =	shalt  }
0x48: {  	_ =	shalt  }
0x49: {  	_ =	shalt  }
0x4a: {  	_ =	shalt  }
0x4b: {  	_ =	shalt  }
0x4c: {  	_ =	shalt  }
0x4d: {  	_ =	shalt  }
0x4e: {  	_ =	shalt  }
0x4f: {  	_ =	shalt  }
0x50: {  	_ =	shalt  }
0x51: {  	_ =	shalt  }
0x52: {  	_ =	shalt  }
0x53: {  	_ =	shalt  }
0x54: {  	_ =	shalt  }
0x55: {  	_ =	shalt  }
0x56: {  	_ =	shalt  }
0x57: {  	_ =	shalt  }
0x58: {  	_ =	shalt  }
0x59: {  	_ =	shalt  }
0x5a: {  	_ =	shalt  }
0x5b: {  	_ =	shalt  }
0x5c: {  	_ =	shalt  }
0x5d: {  	_ =	shalt  }
0x5e: {  	_ =	shalt  }
0x5f: {  	_ =	shalt  }
0x60: {  	_ =	shalt  }
0x61: {  	_ =	shalt  }
0x62: {  	_ =	shalt  }
0x63: {  	_ =	shalt  }
0x64: {  	_ =	shalt  }
0x65: {  	_ =	shalt  }
0x66: {  	_ =	shalt  }
0x67: {  	_ =	shalt  }
0x68: {  	_ =	shalt  }
0x69: {  	_ =	shalt  }
0x6a: {  	_ =	shalt  }
0x6b: {  	_ =	shalt  }
0x6c: {  	_ =	shalt  }
0x6d: {  	_ =	shalt  }
0x6e: {  	_ =	shalt  }
0x6f: {  	_ =	shalt  }
0x70: {  	_ =	shalt  }
0x71: {  	_ =	shalt  }
0x72: {  	_ =	shalt  }
0x73: {  	_ =	shalt  }
0x74: {  	_ =	shalt  }
0x75: {  	_ =	shalt  }
0x76: {  	_ =	shalt  }
0x77: {  	_ =	shalt  }
0x78: {  	_ =	shalt  }
0x79: {  	_ =	shalt  }
0x7a: {  	_ =	shalt  }
0x7b: {  	_ =	shalt  }
0x7c: {  	_ =	shalt  }
0x7d: {  	_ =	shalt  }
0x7e: {  	_ =	shalt  }
0x7f: {  	_ =	shalt  }
0x80: {  	_ =	shalt  }
0x81: {  	_ =	shalt  }
0x82: {  	_ =	shalt  }
0x83: {  	_ =	shalt  }
0x84: {  	_ =	shalt  }
0x85: {  	_ =	shalt  }
0x86: {  	_ =	shalt  }
0x87: {  	_ =	shalt  }
.Lfunc_end0:
.L_simem_size_0:
called_computation_lowered:
.L_overlay_start_0:
0x88: {  	s2 =	sld [smem:$0x3FD9]  }
0x89: {  	s3 =	sld [smem:$0x3FFE];
	_ =	sdelay $0x1  }
0x8a: {  	s1 =	srdreg.scid  }
0x8b: {  	s0 =	sand.u32 $0x1, s1  }
0x8c: {  	s17 =	sshll.u32 s0, $0xA;
	s2 =	sadd.s32 s3, s2  }
0x8d: {  	s2 =	sadd.s32 s2, s17  }
0x8e: {  	[smem:$0x3FC0] =	sst s2  }
0x8f: {  	_ = 	snop  }
0x90: {  	s2 =	sld [smem:$0x3FC9]  }
0x91: {  	s18 =	sld [smem:$0x3FC4]  }
0x92: {  	s4 =	sld [smem:$0x3FC3]  }
0x93: {  	s5 =	sld [smem:$0x3FC2]  }
0x94: {  	s6 =	sld [smem:$0x3FD0];
	(tm) =	ssettm $0x1  }
0x95: {  	s7 =	sld [smem:$0x3FFB];
	_ =	sdelay $0x3  }
0x96: {  	_ =	strace s7  }
0x97: {  	s7 =	sld [smem:$0x3FFC];
	_ =	sdelay $0x3  }
0x98: {  	_ =	strace s7  }
0x99: {  	s7 =	sld [smem:$0x3FFD];
	_ =	sdelay $0x3  }
0x9a: {  	_ =	strace s7  }
0x9b: {  	_ =	strace $0x8FFFFFFF  }
0x9c: {  	s19 =	sld [smem:$0x3FDB];
	_ =	sdelay $0x1  }
0x9d: {  	s8 =	simm.s32 $_scs_section_size  }
0x9e: {  	s9 =	simm.s32 $_size__tile_overlayer_lowered;
	s10 =	simm.s32 $_tile_overlayer_lowered  }
0x9f: {  	s22 =	simm.s32 $0x1BFF;
	s21 =	sshll.u32 s10, $0x1;
	s7 =	sadd.s32 s8, s19  }
0xa0: {  	s11 =	simm.s32 $0x0;
	s20 =	sshll.u32 s9, $0x1;
	s9 =	sadd.s32 s21, s7  }
0xa1: {  	[timem:s11], [sflag:s22] =	dma.local [hbm:s9], s20  }
0xa2: {  	_ =	swait.ge [sflag:s22], s20  }
0xa3: {  	s8 =	ssub.s32 $0x0, s20;
	[sflag:s22] =	ssyncset.done $0x0  }
0xa4: {  	[sflag:s22] =	ssyncadd.s32 s8;
	_ =	sdelay $0x1  }
0xa5: {  	s23 =	simm.s32 $0x1B8B  }
0xa6: {  	_ =	swait.ge [sflag:s23], $0x1  }
0xa7: {  	[sflag:s23] =	ssyncset.done $0x0  }
0xa8: {  	s25 =	simm.s32 $0x1B8E;
	s24 =	sld [smem:$0x3FFE];
	[sflag:s23] =	ssyncadd.s32 $0xFFFFFFFF  }
0xa9: {  	s26 =	simm.s32 $execute0_lowered;
	[smem:$0x3FD2] =	sst s25  }
0xaa: {  	s9 =	sshll.u32 s26, $0x1;
	_ =	strace $0x80000046;
	[dreg:$0x1] =	wrdreg $0xFFFFFFFF  }
0xab: {  	s28 =	simm.s32 $_size_execute0_lowered;
	s7 =	sadd.s32 s7, s9;
	[dreg:$0x0] =	wrdreg $0x0  }
0xac: {  	s9 =	sshll.u32 s28, $0x1;
	[dreg:$0x2] =	wrdreg s7  }
0xad: {  	[dreg:$0x3] =	wrdreg s9  }
0xae: {  	[dreg:$0x4] =	wrdreg $0xC0  }
0xaf: {  	_ =	task [dreg:s11], $0x5FFFF  }
0xb0: {  	[dreg:$0x1] =	wrdreg $0xFFFFFFFF  }
0xb1: {  	[dreg:$0x0] =	wrdreg $0x60  }
0xb2: {  	[dreg:$0x2] =	wrdreg s2  }
0xb3: {  	[dreg:$0x3] =	wrdreg s6  }
0xb4: {  	[dreg:$0x4] =	wrdreg s24  }
0xb5: {  	[dreg:$0x5] =	wrdreg s18  }
0xb6: {  	[dreg:$0x6] =	wrdreg s4  }
0xb7: {  	[dreg:$0x7] =	wrdreg s5  }
0xb8: {  	[dreg:$0x8] =	wrdreg $0xCBA00  }
0xb9: {  	[dreg:$0x9] =	wrdreg $0x118100  }
0xba: {  	[dreg:$0xa] =	wrdreg $0x118180  }
0xbb: {  	[dreg:$0xb] =	wrdreg $0x119A00  }
0xbc: {  	[dreg:$0xc] =	wrdreg $0xE4100  }
0xbd: {  	[dreg:$0xd] =	wrdreg $0x9  }
0xbe: {  	_ =	task.clear_ibuf [dreg:s11], $0xEFFFF;
	_ =	strace $0x90000046  }
0xbf: {  	s29 =	simm.s32 $0x9;
	_ =	strace $0x80000050  }
0xc0: {  	_ =	swait.ge [sflag:s29], $0x1  }
0xc1: {  	[sflag:s29] =	ssyncadd.s32 $0xFFFFFFFF  }
0xc2: {  	_ =	strace $0x90000050  }
0xc3: {  	_ =	sfence  }
0xc4: {  	s30 =	sld [smem:$0x0];
	_ =	sdelay $0x2  }
0xc5: {  	s31 =	sshll.u32 s1, $0xD;
	s1 =	sshrl.u32 s1, $0x2  }
0xc6: {  	s3 =	sand.u32 $0x4000, s31;
	s1 =	sadd.s32 s1, s30  }
0xc7: {  	s0 =	sor.u32 s3, s0;
	s1 =	sshll.u32 s1, $0x11  }
0xc8: {  	s0 =	sor.u32 s1, s0  }
0xc9: {  	s0 =	sadd.s32 $0x8F2B, s0  }
0xca: {  	[sflag:s0] =	ssyncadd.remote.s32 $0x1  }
0xcb: {  	_ =	sfence.sel $0xFFFF  }
0xcc: {  	[dreg:$0x0] =	wrdreg $0xFFFFFFFF;
	(pc) =	sbr.abs _section_cstart, $3  }
0xcd: {  	[dreg:$0x1] =	wrdreg $0xFFFFFFFF  }
0xce: {  	_ =	task.clear_ibuf [dreg:s11], $0x2FFFF;
	_ =	strace $0x9FFFFFFF  }
0xcf: {  	(tm) =	ssettm $0x7FFFFFFF  }
tec
execute0_lowered:
.L_overlay_start_1:
0x0: {  	(tag) =	ssettag $0x1  }
0x1: {  	s2 =	rddreg [dreg:$0x0]  }
0x2: {  	s4 =	rddreg [dreg:$0x1]  }
0x3: {  	s5 =	rddreg [dreg:$0x2]  }
0x4: {  	s6 =	rddreg [dreg:$0x3]  }
0x5: {  	s0 =	rddreg [dreg:$0x4]  }
0x6: {  	s24 =	rddreg [dreg:$0x5]  }
0x7: {  	s11 =	rddreg [dreg:$0x6]  }
0x8: {  	s14 =	rddreg [dreg:$0x7]  }
0x9: {  	s15 =	rddreg [dreg:$0x8]  }
0xa: {  	s16 =	rddreg [dreg:$0x9]  }
0xb: {  	s19 =	rddreg [dreg:$0xa]  }
0xc: {  	[dreg:$0xe] =	wrdreg s0  }
0xd: {  	s1 =	simm.s32 $0x0;
	[dreg:$0xf] =	wrdreg s24  }
0xe: {  	s7 =	srdreg.scid;
	[smem:$0x7FF] =	sst s1  }
0xf: {  	s8 =	sadd.s32 $0x800, s5;
	s0 =	stileid.u32;
	s12 =	sand.u32 $0x1, s7  }
0x10: {  	s9 =	sadd.s32 $0xC00, s5;
	s22 =	sadd.s32 $0x2DD2, s6;
	s23 =	sadd.s32 $0x6180, s4  }
0x11: {  	_ =	strace $0x80000047;
	[dreg:$0xc] =	wrdreg s8;
	s3 =	smul.u32 $0x1870, s0  }
0x12: {  	s25 =	sshll.u32 s0, $0x8;
	[dreg:$0xd] =	wrdreg s9;
	s10 =	smul.u32 $0x680, s0  }
0x13: {  	s26 =	sshll.u32 s12, $0x7;
	s21 =	smul.u32 $0xD000, s0;
	[dreg:$0x13] =	wrdreg s22  }
0x14: {  	[dreg:$0x14] =	wrdreg s23;
	p0 =	seq.s32 s0, $0xF;
	s7 =	sor.u32 s26, s25  }
0x15: {  	s13 =	sshrl.u32 s7, $0x3;
	s17 =	sshrl.u32 s3, $0x3;
	s20 =	sadd.s32 s4, s10  }
0x16: {  	s4 =	sadd.s32 s3, s11;
	s3 =	simm.s32 $0xBD00;
	[dreg:$0x12] =	wrdreg s20  }
0x17: {  	s7 =	sshll.u32 s7, $0x3;
	s2 =	sadd.s32 s2, s13;
	[dreg:$0x19] =	wrdreg s3  }
0x18: {  	s24 =	sshrl.u32 s21, $0x2;
	s18 =	sadd.s32 s6, s17;
	[dreg:$0x10] =	wrdreg s2  }
0x19: {  	s5 =	sadd.s32 s7, s5;
	s25 =	sadd.s32 s24, s19;
	[dreg:$0x11] =	wrdreg s18  }
0x1a: {  	s6 =	sadd.s32 $0x16E90, s11;
	[dreg:$0x15] =	wrdreg s25;
	s26 =	sadd.s32 $0xE00, s5  }
0x1b: {  	s2 =	sshrl.u32 @p0 s6, $0x3;
	[dreg:$0x16] =	wrdreg s26  }
0x1c: {  	[dreg:$0x18] =	wrdreg s2;
	s2 =	sshrl.u32 @!p0 s4, $0x3  }
0x1d: {  	s4 =	simm.s32 $0x2100;
	[dreg:$0x17] =	wrdreg s2  }
0x1e: {  	[dreg:$0x1a] =	wrdreg s4  }
0x1f: {  	_ =	strace $0x80000048  }
0x20: {  	s7 =	simm.s32 $0x2;
	s5 =	rddreg [dreg:$0x10]  }
0x21: {  	[tilespmem:s1], [sflag:$0x2] =	stream.linear.gather [hbm4b:s5+s1], $0x80, $0x200038;
	[tilespmem:$0x119B0] =	vst v63  }
0x22: {  	_ =	swait.ge [sflag:s7], $0x80  }
0x23: {  	[sflag:s7] =	ssyncset.done $0x0  }
0x24: {  	[sflag:s7] =	ssyncadd.s32 $0xFFFFFF80  }
0x25: {  	_ =	strace $0x90000048  }
0x26: {  	_ =	strace $0x80000049  }
0x27: {  	s2 =	rddreg [dreg:$0x13]  }
0x28: {  	s9 =	simm.s32 @p0 $0x2;
	s3 =	simm.s32 @p0 $0x1FC2;
	s4 =	rddreg [dreg:$0x18]  }
0x29: {  	[spmem:s4], [sflag:s3] =	dma.local @p0 [hbm:s2], $0x302  }
0x2a: {  	_ =	swait.ge @p0 [sflag:s9], $0x302  }
0x2b: {  	s5 =	sshll.u32 @!p0 s0, $0x6;
	s3 =	simm.s32 @p0 $0x0;
	[sflag:s9] =	ssyncset.done @p0 $0x0  }
0x2c: {  	s4 =	simm.s32 @p0 $0x2100;
	s2 =	rddreg [dreg:$0x14];
	[sflag:s9] =	ssyncadd.s32 @p0 $0xFFFFFCFE  }
0x2d: {  	[tilespmem:s4], [sflag:$0x2] =	stream.linear.gather @p0 [hbm4b:s2+s3], $0x140, $0x200038;
	[tilespmem:$0x119B0] =	vst v63  }
0x2e: {  	s3 =	sor.u32 @!p0 $0x1C02, s5  }
0x2f: {  	_ =	swait.ge @p0 [sflag:s9], $0x140;
	[dreg:$0x1b] =	wrdreg s3  }
0x30: {  	s2 =	rddreg [dreg:$0x11];
	[sflag:s9] =	ssyncset.done @p0 $0x0  }
0x31: {  	s13 =	simm.s32 @!p0 $0x2;
	s4 =	rddreg [dreg:$0x17];
	[sflag:s9] =	ssyncadd.s32 @p0 $0xFFFFFEC0  }
0x32: {  	[spmem:s4], [sflag:s3] =	dma.local @!p0 [hbm:s2], $0x30E  }
0x33: {  	_ =	swait.ge @!p0 [sflag:s13], $0x30E  }
0x34: {  	s3 =	simm.s32 @!p0 $0x2100;
	[sflag:s13] =	ssyncset.done @!p0 $0x0  }
0x35: {  	s4 =	simm.s32 @!p0 $0x0;
	s2 =	rddreg [dreg:$0x12];
	[sflag:s13] =	ssyncadd.s32 @!p0 $0xFFFFFCF2  }
0x36: {  	[tilespmem:s3], [sflag:$0x2] =	stream.linear.gather @!p0 [hbm4b:s2+s4], $0x3400, $0x200038;
	[tilespmem:$0x119B0] =	vst v63  }
0x37: {  	_ =	swait.ge @!p0 [sflag:s13], $0x3400  }
0x38: {  	s6 =	rddreg [dreg:$0xe];
	[sflag:s13] =	ssyncset.done @!p0 $0x0  }
0x39: {  	p1 =	sne.s32 s0, $0x0;
	s8 =	rddreg [dreg:$0x19];
	[sflag:s13] =	ssyncadd.s32 @!p0 $0xFFFFCC00  }
0x3a: {  	[tilespmem:s8], [sflag:$0x2] =	stream.linear.gather [hbm4b:s6+s1], $0xC35, $0x200038;
	[tilespmem:$0x119B0] =	vst v63  }
0x3b: {  	s3 =	sshrl.u32 @!p1 s14, $0x3;
	_ =	swait.ge [sflag:s7], $0xC35  }
0x3c: {  	s17 =	simm.s32 @!p1 $0x1C02;
	[dreg:$0x1c] =	wrdreg s3;
	[sflag:s7] =	ssyncset.done $0x0  }
0x3d: {  	s18 =	simm.s32 @!p1 $0x2;
	s2 =	rddreg [dreg:$0xf];
	[sflag:s7] =	ssyncadd.s32 $0xFFFFF3CB  }
0x3e: {  	[spmem:s3], [sflag:s17] =	dma.local @!p1 [hbm:s2], $0xD  }
0x3f: {  	s3 =	sshrl.u32 @!p1 s15, $0x3;
	_ =	swait.ge @!p1 [sflag:s18], $0xD  }
0x40: {  	[dreg:$0x1d] =	wrdreg s3;
	[sflag:s18] =	ssyncset.done @!p1 $0x0  }
0x41: {  	s2 =	rddreg [dreg:$0xc];
	[sflag:s18] =	ssyncadd.s32 @!p1 $0xFFFFFFF3  }
0x42: {  	[spmem:s3], [sflag:s17] =	dma.local @!p1 [hbm:s2], $0x308  }
0x43: {  	s3 =	sshrl.u32 @!p1 s16, $0x3;
	_ =	swait.ge @!p1 [sflag:s18], $0x308  }
0x44: {  	[dreg:$0x1e] =	wrdreg s3;
	[sflag:s18] =	ssyncset.done @!p1 $0x0  }
0x45: {  	s2 =	rddreg [dreg:$0xd];
	[sflag:s18] =	ssyncadd.s32 @!p1 $0xFFFFFCF8  }
0x46: {  	[spmem:s3], [sflag:s17] =	dma.local @!p1 [hbm:s2], $0x18  }
0x47: {  	_ =	swait.ge @!p1 [sflag:s18], $0x18  }
0x48: {  	[sflag:s18] =	ssyncset.done @!p1 $0x0  }
0x49: {  	[sflag:s18] =	ssyncadd.s32 @!p1 $0xFFFFFFE8  }
0x4a: {  	s21 =	smul.u32 $0xD0, s0;
	_ =	strace $0x90000049  }
0x4b: {  	_ =	strace $0x8000004A  }
0x4c: {  	v0 =	vld [tilespmem:s21+$0xBD00];
	_ =	sdelay $0x4  }
0x4d: {  	vm0 =	vgt.s32 v0, $0x0  }
0x4e: {  	v0 =	vnsel vm0, $0x0, v0  }
0x4f: {  	v12 =	vlaneseq.u32;
	v1 =	vmin.u32 v0, $0x60  }
0x50: {  	v0 =	vor.u32 s21, v12;
	[tilespmem:s21+$0xBD00] =	vst v1  }
0x51: {  	s22 =	sadd.s32 $0x10, s21;
	[tilespmem:$0xCAD0] =	vst v0  }
0x52: {  	v1 =	vld [tilespmem:s22+$0xBD00];
	_ =	sdelay $0x4  }
0x53: {  	vm4 =	vgt.s32 v1, $0x0  }
0x54: {  	v1 =	vnsel vm4, $0x0, v1  }
0x55: {  	v2 =	vmin.u32 v1, $0x60  }
0x56: {  	v1 =	vor.u32 s22, v12;
	[tilespmem:s22+$0xBD00] =	vst v2  }
0x57: {  	s23 =	sadd.s32 $0x20, s21;
	[tilespmem:$0xCAE0] =	vst v1  }
0x58: {  	v2 =	vld [tilespmem:s23+$0xBD00];
	_ =	sdelay $0x4  }
0x59: {  	vm5 =	vgt.s32 v2, $0x0  }
0x5a: {  	v2 =	vnsel vm5, $0x0, v2  }
0x5b: {  	v3 =	vmin.u32 v2, $0x60  }
0x5c: {  	v2 =	vor.u32 s23, v12;
	[tilespmem:s23+$0xBD00] =	vst v3  }
0x5d: {  	s24 =	sadd.s32 $0x30, s21;
	[tilespmem:$0xCAF0] =	vst v2  }
0x5e: {  	v3 =	vld [tilespmem:s24+$0xBD00];
	_ =	sdelay $0x4  }
0x5f: {  	vm6 =	vgt.s32 v3, $0x0  }
0x60: {  	v3 =	vnsel vm6, $0x0, v3  }
0x61: {  	v4 =	vmin.u32 v3, $0x60  }
0x62: {  	v3 =	vor.u32 s24, v12;
	[tilespmem:s24+$0xBD00] =	vst v4  }
0x63: {  	s25 =	sadd.s32 $0x40, s21;
	[tilespmem:$0xCB00] =	vst v3  }
0x64: {  	v4 =	vld [tilespmem:s25+$0xBD00];
	_ =	sdelay $0x4  }
0x65: {  	vm7 =	vgt.s32 v4, $0x0  }
0x66: {  	v4 =	vnsel vm7, $0x0, v4  }
0x67: {  	v5 =	vmin.u32 v4, $0x60  }
0x68: {  	v4 =	vor.u32 s25, v12;
	[tilespmem:s25+$0xBD00] =	vst v5  }
0x69: {  	s26 =	sadd.s32 $0x50, s21;
	[tilespmem:$0xCB10] =	vst v4  }
0x6a: {  	v5 =	vld [tilespmem:s26+$0xBD00];
	_ =	sdelay $0x4  }
0x6b: {  	vm8 =	vgt.s32 v5, $0x0  }
0x6c: {  	v5 =	vnsel vm8, $0x0, v5  }
0x6d: {  	v6 =	vmin.u32 v5, $0x60  }
0x6e: {  	v5 =	vor.u32 s26, v12;
	[tilespmem:s26+$0xBD00] =	vst v6  }
0x6f: {  	s28 =	sadd.s32 $0x60, s21;
	[tilespmem:$0xCB20] =	vst v5  }
0x70: {  	v6 =	vld [tilespmem:s28+$0xBD00];
	_ =	sdelay $0x4  }
0x71: {  	vm9 =	vgt.s32 v6, $0x0  }
0x72: {  	v6 =	vnsel vm9, $0x0, v6  }
0x73: {  	v7 =	vmin.u32 v6, $0x60  }
0x74: {  	v6 =	vor.u32 s28, v12;
	[tilespmem:s28+$0xBD00] =	vst v7  }
0x75: {  	s29 =	sadd.s32 $0x70, s21;
	[tilespmem:$0xCB30] =	vst v6  }
0x76: {  	v7 =	vld [tilespmem:s29+$0xBD00];
	_ =	sdelay $0x4  }
0x77: {  	vm10 =	vgt.s32 v7, $0x0  }
0x78: {  	v7 =	vnsel vm10, $0x0, v7  }
0x79: {  	v8 =	vmin.u32 v7, $0x60  }
0x7a: {  	v7 =	vor.u32 s29, v12;
	[tilespmem:s29+$0xBD00] =	vst v8  }
0x7b: {  	s30 =	sadd.s32 $0x80, s21;
	[tilespmem:$0xCB40] =	vst v7  }
0x7c: {  	v8 =	vld [tilespmem:s30+$0xBD00];
	_ =	sdelay $0x4  }
0x7d: {  	vm11 =	vgt.s32 v8, $0x0  }
0x7e: {  	v8 =	vnsel vm11, $0x0, v8  }
0x7f: {  	v9 =	vmin.u32 v8, $0x60  }
0x80: {  	v8 =	vor.u32 s30, v12;
	[tilespmem:s30+$0xBD00] =	vst v9  }
0x81: {  	s31 =	sadd.s32 $0x90, s21;
	[tilespmem:$0xCB50] =	vst v8  }
0x82: {  	v9 =	vld [tilespmem:s31+$0xBD00];
	_ =	sdelay $0x4  }
0x83: {  	vm12 =	vgt.s32 v9, $0x0  }
0x84: {  	v9 =	vnsel vm12, $0x0, v9  }
0x85: {  	v10 =	vmin.u32 v9, $0x60  }
0x86: {  	v9 =	vor.u32 s31, v12;
	[tilespmem:s31+$0xBD00] =	vst v10  }
0x87: {  	s0 =	sadd.s32 $0xA0, s21;
	[tilespmem:$0xCB60] =	vst v9  }
0x88: {  	v10 =	vld [tilespmem:s0+$0xBD00];
	_ =	sdelay $0x4  }
0x89: {  	vm13 =	vgt.s32 v10, $0x0  }
0x8a: {  	v10 =	vnsel vm13, $0x0, v10  }
0x8b: {  	v11 =	vmin.u32 v10, $0x60  }
0x8c: {  	v10 =	vor.u32 s0, v12;
	[tilespmem:s0+$0xBD00] =	vst v11  }
0x8d: {  	s2 =	sadd.s32 $0xB0, s21;
	[tilespmem:$0xCB70] =	vst v10  }
0x8e: {  	v11 =	vld [tilespmem:s2+$0xBD00];
	_ =	sdelay $0x4  }
0x8f: {  	vm14 =	vgt.s32 v11, $0x0  }
0x90: {  	v11 =	vnsel vm14, $0x0, v11  }
0x91: {  	v13 =	vmin.u32 v11, $0x60  }
0x92: {  	v11 =	vor.u32 s2, v12;
	[tilespmem:s2+$0xBD00] =	vst v13  }
0x93: {  	s4 =	sadd.s32 $0xC0, s21;
	[tilespmem:$0xCB80] =	vst v11  }
0x94: {  	v13 =	vld [tilespmem:s4+$0xBD00];
	_ =	sdelay $0x4  }
0x95: {  	vm15 =	vgt.s32 v13, $0x0  }
0x96: {  	v13 =	vnsel vm15, $0x0, v13  }
0x97: {  	v13 =	vmin.u32 v13, $0x60  }
0x98: {  	v12 =	vor.u32 s4, v12;
	[tilespmem:s4+$0xBD00] =	vst v13  }
0x99: {  	[tilespmem:$0xCB90] =	vst v12  }
0x9a: {  	_ =	strace $0x9000004A  }
0x9b: {  	_ =	strace $0x8000004B  }
0x9c: {  	[bflag:$0x0] =	sbarrier.arrive $0xFFFF  }
0x9d: {  	s10 =	simm.s32 $0xCA00;
	s5 =	simm.s32 $0x1;
	_ =	strace $0x9000004B  }
0x9e: {  	s6 =	sadd.s32 $0xBD00, s21;
	s8 =	simm.s32 $0xD0;
	_ =	strace $0x8000004C  }
0x9f: {  	[tilespmem:s10], [sflag:$0x1] =	stream.indirect.gather [spmem:s14], $0x1, s6, s8, $0x2000b8;
	[tilespmem:$0x119B0] =	vst v63  }
0xa0: {  	_ =	swait.ge [sflag:s5], $0xD0  }
0xa1: {  	[sflag:s5] =	ssyncset.done $0x0  }
0xa2: {  	[sflag:s5] =	ssyncadd.s32 $0xFFFFFF30  }
0xa3: {  	v13 =	vld [tilespmem:$0xCAC0]  }
0xa4: {  	v14 =	vld [tilespmem:$0xCAB0]  }
0xa5: {  	v19 =	vld [tilespmem:$0xCA00]  }
0xa6: {  	v15 =	vld [tilespmem:$0xCA60]  }
0xa7: {  	v16 =	vld [tilespmem:$0xCA20]  }
0xa8: {  	v17 =	vld [tilespmem:$0xCA10];
	vm4 =	vgt.s32 v13, $0x0  }
0xa9: {  	v18 =	vld [tilespmem:$0xCA40];
	vm1 =	vgt.s32 v14, $0x0;
	v13 =	vnsel vm4, $0x0, v13  }
0xaa: {  	v20 =	vld [tilespmem:$0xCA30];
	vm9 =	vgt.s32 v19, $0x0;
	v14 =	vnsel vm1, $0x0, v14;
	v13 =	vmin.u32 v13, $0x2  }
0xab: {  	v21 =	vld [tilespmem:$0xCA50];
	vm5 =	vgt.s32 v15, $0x0;
	v19 =	vnsel vm9, $0x0, v19;
	v14 =	vmin.u32 v14, $0x2;
	[tilespmem:$0xCAC0] =	vst v13  }
0xac: {  	vm6 =	vgt.s32 v16, $0x0;
	v19 =	vmin.u32 v19, $0x2;
	v13 =	vnsel vm5, $0x0, v15;
	v15 =	vld [tilespmem:$0xCA80];
	[tilespmem:$0xCAB0] =	vst v14  }
0xad: {  	v61 =	vld [tilespmem:$0xCA90];
	vm7 =	vgt.s32 v17, $0x0;
	v14 =	vnsel vm6, $0x0, v16;
	[tilespmem:$0xCA00] =	vst v19;
	v13 =	vmin.u32 v13, $0x2  }
0xae: {  	v62 =	vld [tilespmem:$0xCAA0];
	vm8 =	vgt.s32 v18, $0x0;
	v14 =	vmin.u32 v14, $0x2;
	[tilespmem:$0xCA60] =	vst v13;
	v13 =	vnsel vm7, $0x0, v17  }
0xaf: {  	v63 =	vld [tilespmem:$0xCA70];
	vm10 =	vgt.s32 v20, $0x0;
	[tilespmem:$0xCA20] =	vst v14;
	v14 =	vnsel vm8, $0x0, v18;
	v13 =	vmin.u32 v13, $0x2  }
0xb0: {  	vm11 =	vgt.s32 v21, $0x0;
	[tilespmem:$0xCA10] =	vst v13;
	v13 =	vmin.u32 v14, $0x2;
	v14 =	vnsel vm10, $0x0, v20  }
0xb1: {  	[tilespmem:$0xCA40] =	vst v13;
	v13 =	vnsel vm11, $0x0, v21;
	v14 =	vmin.u32 v14, $0x2;
	vm12 =	vgt.s32 v15, $0x0  }
0xb2: {  	vm13 =	vgt.s32 v61, $0x0;
	v13 =	vmin.u32 v13, $0x2;
	[tilespmem:$0xCA30] =	vst v14;
	v14 =	vnsel vm12, $0x0, v15  }
0xb3: {  	vm14 =	vgt.s32 v62, $0x0;
	[tilespmem:$0xCA50] =	vst v13;
	v13 =	vmin.u32 v14, $0x2;
	v14 =	vnsel vm13, $0x0, v61  }
0xb4: {  	vm15 =	vgt.s32 v63, $0x0;
	[tilespmem:$0xCA80] =	vst v13;
	v13 =	vmin.u32 v14, $0x2;
	v14 =	vnsel vm14, $0x0, v62  }
0xb5: {  	v15 =	vnsel vm15, $0x0, v63;
	[tilespmem:$0xCA90] =	vst v13;
	v13 =	vmin.u32 v14, $0x2  }
0xb6: {  	v14 =	vmin.u32 v15, $0x2;
	[tilespmem:$0xCAA0] =	vst v13  }
0xb7: {  	s11 =	simm.s32 $0x5500;
	[tilespmem:$0xCA70] =	vst v14  }
0xb8: {  	[tilespmem:s11], [sflag:$0x1] =	stream.indirect.gather [spmem:s15], $0x40, s6, s8, $0x2000b8;
	[tilespmem:$0x119B0] =	vst v63  }
0xb9: {  	s20 =	simm.s32 $0x8900  }
0xba: {  	[tilespmem:s20], [sflag:$0x1] =	stream.indirect.gather [spmem:s16], $0x40, s10, s8, $0x2000b8;
	[tilespmem:$0x119B0] =	vst v63  }
0xbb: {  	_ =	swait.ge [sflag:s5], $0x3400  }
0xbc: {  	[sflag:s5] =	ssyncset.done $0x0  }
0xbd: {  	[sflag:s5] =	ssyncadd.s32 $0xFFFFCC00  }
0xbe: {  	_ =	swait.ge [sflag:s5], $0x3400  }
0xbf: {  	s3 =	rddreg [dreg:$0x15];
	[sflag:s5] =	ssyncset.done $0x0  }
0xc0: {  	s14 =	rddreg [dreg:$0x1a];
	[sflag:s5] =	ssyncadd.s32 $0xFFFFCC00  }
0xc1: {  	[spmem:s3] =	stream.linear.scatter [tilespmem:s14], [sflag:$0x2], $0x3400, $0x200038;
	[tilespmem:$0x119B0] =	vst v63  }
0xc2: {  	_ =	swait.ge [sflag:s7], $0x3400  }
0xc3: {  	[sflag:s7] =	ssyncset.done $0x0  }
0xc4: {  	s16 =	simm.s32 $0xCAD0;
	[sflag:s7] =	ssyncadd.s32 $0xFFFFCC00  }
0xc5: {  	[spmem:s19] =	stream.indirect.scatter.add.f32 [tilespmem:s11], [sflag:$0x2], $0x40, s16, s8, $0x2000b8;
	[tilespmem:$0x119B0] =	vst v63  }
0xc6: {  	_ =	swait.ge [sflag:s7], $0x3400  }
0xc7: {  	[sflag:s7] =	ssyncset.done $0x0  }
0xc8: {  	s12 =	ssub.s32 $0x2, s12;
	[sflag:s7] =	ssyncadd.s32 $0xFFFFCC00  }
0xc9: {  	[spmem:s19] =	stream.indirect.scatter.add.f32 [tilespmem:s20], [sflag:$0x2], $0x40, s16, s8, $0x2000b8;
	[tilespmem:$0x119B0] =	vst v63  }
0xca: {  	s20 =	sshrl.u32 s12, $0x1  }
0xcb: {  	s12 =	ssub.s32 s12, s20  }
0xcc: {  	s12 =	smax.u32 s12, $0x1  }
0xcd: {  	_ =	swait.ge [sflag:s7], $0x3400;
	s19 =	sadd.s32 $0xFFFFFFFF, s12  }
0xce: {  	[sflag:s7] =	ssyncset.done $0x0;
	p2 =	sne.s32 s19, $0x0  }
.Ltmp0:
0xcf: {  	[sflag:s7] =	ssyncadd.s32 $0xFFFFCC00;
	(pc) =	sbr.rel @!p2 .LBB2_3-.Ltmp0, $4  }
0xd0: {  	_ =	strace $0x9000004C  }
0xd1: {  	_ =	strace $0x8000004D  }
0xd2: {  	[bflag:$0x0] =	sbarrier.arrive $0xFFFF  }
0xd3: {  	s16 =	simm.s32 $0x80;
	s12 =	simm.s32 $0x100;
	_ =	strace $0x9000004D  }
0xd4: {  	s14 =	simm.s32 $0x5500;
	s15 =	simm.s32 $0x8900  }
.LBB2_2:
0xd5: {  	_ =	strace $0x8000004E  }
0xd6: {  	s10 =	rddreg [dreg:$0x6]  }
0xd7: {  	[tilespmem:s16], [sflag:$0x1] =	stream.indirect.gather [spmem:s10], $0x1, s1, s16, $0x2000b8;
	[tilespmem:$0x119B0] =	vst v63  }
0xd8: {  	_ =	swait.ge [sflag:s5], $0x80  }
0xd9: {  	[sflag:s5] =	ssyncset.done $0x0  }
0xda: {  	[sflag:s5] =	ssyncadd.s32 $0xFFFFFF80  }
0xdb: {  	s11 =	rddreg [dreg:$0xa]  }
0xdc: {  	[tilespmem:s12], [sflag:$0x1] =	stream.indirect.gather [spmem:s11], $0x40, s16, s16, $0x2000b8;
	[tilespmem:$0x119B0] =	vst v63  }
0xdd: {  	_ =	swait.ge [sflag:s5], $0x2000  }
0xde: {  	[sflag:s5] =	ssyncset.done $0x0  }
0xdf: {  	[sflag:s5] =	ssyncadd.s32 $0xFFFFE000  }
0xe0: {  	_ =	strace $0x9000004E  }
0xe1: {  	_ =	strace $0x8000004F  }
0xe2: {  	s20 =	rddreg [dreg:$0x16]  }
0xe3: {  	[hbm4b:s20+s1] =	stream.linear.scatter [tilespmem:s12], [sflag:$0x2], $0x2000, $0x200038;
	[tilespmem:$0x119B0] =	vst v63  }
0xe4: {  	_ =	swait.ge [sflag:s7], $0x2000  }
0xe5: {  	[sflag:s7] =	ssyncset.done $0x0  }
0xe6: {  	[sflag:s7] =	ssyncadd.s32 $0xFFFFE000  }
0xe7: {  	_ =	strace $0x9000004F  }
0xe8: {  	_ =	strace $0x80000048  }
0xe9: {  	s10 =	rddreg [dreg:$0x10]  }
0xea: {  	[tilespmem:s1], [sflag:$0x2] =	stream.linear.gather [hbm4b:s10+s1], $0x80, $0x200038;
	[tilespmem:$0x119B0] =	vst v63  }
0xeb: {  	_ =	swait.ge [sflag:s7], $0x80  }
0xec: {  	[sflag:s7] =	ssyncset.done $0x0  }
0xed: {  	[sflag:s7] =	ssyncadd.s32 $0xFFFFFF80  }
0xee: {  	_ =	strace $0x90000048  }
0xef: {  	_ =	strace $0x80000049  }
0xf0: {  	s20 =	rddreg [dreg:$0x13]  }
0xf1: {  	s3 =	simm.s32 @p0 $0x1FC2;
	s10 =	rddreg [dreg:$0x18]  }
0xf2: {  	[spmem:s10], [sflag:s3] =	dma.local @p0 [hbm:s20], $0x302  }
0xf3: {  	_ =	swait.ge @p0 [sflag:s9], $0x302  }
0xf4: {  	s3 =	simm.s32 @p0 $0x0;
	[sflag:s9] =	ssyncset.done @p0 $0x0  }
0xf5: {  	s20 =	simm.s32 @p0 $0x2100;
	s10 =	rddreg [dreg:$0x14];
	[sflag:s9] =	ssyncadd.s32 @p0 $0xFFFFFCFE  }
0xf6: {  	[tilespmem:s20], [sflag:$0x2] =	stream.linear.gather @p0 [hbm4b:s10+s3], $0x140, $0x200038;
	[tilespmem:$0x119B0] =	vst v63  }
0xf7: {  	_ =	swait.ge @p0 [sflag:s9], $0x140  }
0xf8: {  	s10 =	rddreg [dreg:$0x11]  }
0xf9: {  	[sflag:s9] =	ssyncset.done @p0 $0x0;
	s20 =	rddreg [dreg:$0x17]  }
0xfa: {  	s3 =	rddreg [dreg:$0x1b];
	[sflag:s9] =	ssyncadd.s32 @p0 $0xFFFFFEC0  }
0xfb: {  	[spmem:s20], [sflag:s3] =	dma.local @!p0 [hbm:s10], $0x30E  }
0xfc: {  	_ =	swait.ge @!p0 [sflag:s13], $0x30E  }
0xfd: {  	s3 =	simm.s32 @!p0 $0x2100;
	[sflag:s13] =	ssyncset.done @!p0 $0x0  }
0xfe: {  	s20 =	simm.s32 @!p0 $0x0;
	s10 =	rddreg [dreg:$0x12];
	[sflag:s13] =	ssyncadd.s32 @!p0 $0xFFFFFCF2  }
0xff: {  	[tilespmem:s3], [sflag:$0x2] =	stream.linear.gather @!p0 [hbm4b:s10+s20], $0x3400, $0x200038;
	[tilespmem:$0x119B0] =	vst v63  }
0x100: {  	_ =	swait.ge @!p0 [sflag:s13], $0x3400  }
0x101: {  	[sflag:s13] =	ssyncset.done @!p0 $0x0;
	s20 =	rddreg [dreg:$0xe]  }
0x102: {  	s3 =	rddreg [dreg:$0x19];
	[sflag:s13] =	ssyncadd.s32 @!p0 $0xFFFFCC00  }
0x103: {  	[tilespmem:s3], [sflag:$0x2] =	stream.linear.gather [hbm4b:s20+s1], $0xC35, $0x200038;
	[tilespmem:$0x119B0] =	vst v63  }
0x104: {  	_ =	swait.ge [sflag:s7], $0xC35  }
0x105: {  	[sflag:s7] =	ssyncset.done $0x0;
	s10 =	rddreg [dreg:$0xf]  }
0x106: {  	s3 =	rddreg [dreg:$0x1c];
	[sflag:s7] =	ssyncadd.s32 $0xFFFFF3CB  }
0x107: {  	[spmem:s3], [sflag:s17] =	dma.local @!p1 [hbm:s10], $0xD  }
0x108: {  	_ =	swait.ge @!p1 [sflag:s18], $0xD  }
0x109: {  	[sflag:s18] =	ssyncset.done @!p1 $0x0;
	s10 =	rddreg [dreg:$0xc]  }
0x10a: {  	s3 =	rddreg [dreg:$0x1d];
	[sflag:s18] =	ssyncadd.s32 @!p1 $0xFFFFFFF3  }
0x10b: {  	[spmem:s3], [sflag:s17] =	dma.local @!p1 [hbm:s10], $0x308  }
0x10c: {  	_ =	swait.ge @!p1 [sflag:s18], $0x308  }
0x10d: {  	[sflag:s18] =	ssyncset.done @!p1 $0x0;
	s10 =	rddreg [dreg:$0xd]  }
0x10e: {  	s3 =	rddreg [dreg:$0x1e];
	[sflag:s18] =	ssyncadd.s32 @!p1 $0xFFFFFCF8  }
0x10f: {  	[spmem:s3], [sflag:s17] =	dma.local @!p1 [hbm:s10], $0x18  }
0x110: {  	_ =	swait.ge @!p1 [sflag:s18], $0x18  }
0x111: {  	[sflag:s18] =	ssyncset.done @!p1 $0x0  }
0x112: {  	[sflag:s18] =	ssyncadd.s32 @!p1 $0xFFFFFFE8  }
0x113: {  	_ =	strace $0x90000049  }
0x114: {  	_ =	strace $0x8000004A  }
0x115: {  	v13 =	vld [tilespmem:s21+$0xBD00];
	_ =	sdelay $0x4  }
0x116: {  	vm0 =	vgt.s32 v13, $0x0  }
0x117: {  	v13 =	vnsel vm0, $0x0, v13  }
0x118: {  	v13 =	vmin.u32 v13, $0x60  }
0x119: {  	[tilespmem:s21+$0xBD00] =	vst v13  }
0x11a: {  	[tilespmem:$0xCAD0] =	vst v0  }
0x11b: {  	v13 =	vld [tilespmem:s22+$0xBD00];
	_ =	sdelay $0x4  }
0x11c: {  	vm4 =	vgt.s32 v13, $0x0  }
0x11d: {  	v13 =	vnsel vm4, $0x0, v13  }
0x11e: {  	v13 =	vmin.u32 v13, $0x60  }
0x11f: {  	[tilespmem:s22+$0xBD00] =	vst v13  }
0x120: {  	[tilespmem:$0xCAE0] =	vst v1  }
0x121: {  	v13 =	vld [tilespmem:s23+$0xBD00];
	_ =	sdelay $0x4  }
0x122: {  	vm5 =	vgt.s32 v13, $0x0  }
0x123: {  	v13 =	vnsel vm5, $0x0, v13  }
0x124: {  	v13 =	vmin.u32 v13, $0x60  }
0x125: {  	[tilespmem:s23+$0xBD00] =	vst v13  }
0x126: {  	[tilespmem:$0xCAF0] =	vst v2  }
0x127: {  	v13 =	vld [tilespmem:s24+$0xBD00];
	_ =	sdelay $0x4  }
0x128: {  	vm6 =	vgt.s32 v13, $0x0  }
0x129: {  	v13 =	vnsel vm6, $0x0, v13  }
0x12a: {  	v13 =	vmin.u32 v13, $0x60  }
0x12b: {  	[tilespmem:s24+$0xBD00] =	vst v13  }
0x12c: {  	[tilespmem:$0xCB00] =	vst v3  }
0x12d: {  	v13 =	vld [tilespmem:s25+$0xBD00];
	_ =	sdelay $0x4  }
0x12e: {  	vm7 =	vgt.s32 v13, $0x0  }
0x12f: {  	v13 =	vnsel vm7, $0x0, v13  }
0x130: {  	v13 =	vmin.u32 v13, $0x60  }
0x131: {  	[tilespmem:s25+$0xBD00] =	vst v13  }
0x132: {  	[tilespmem:$0xCB10] =	vst v4  }
0x133: {  	v13 =	vld [tilespmem:s26+$0xBD00];
	_ =	sdelay $0x4  }
0x134: {  	vm8 =	vgt.s32 v13, $0x0  }
0x135: {  	v13 =	vnsel vm8, $0x0, v13  }
0x136: {  	v13 =	vmin.u32 v13, $0x60  }
0x137: {  	[tilespmem:s26+$0xBD00] =	vst v13  }
0x138: {  	[tilespmem:$0xCB20] =	vst v5  }
0x139: {  	v13 =	vld [tilespmem:s28+$0xBD00];
	_ =	sdelay $0x4  }
0x13a: {  	vm9 =	vgt.s32 v13, $0x0  }
0x13b: {  	v13 =	vnsel vm9, $0x0, v13  }
0x13c: {  	v13 =	vmin.u32 v13, $0x60  }
0x13d: {  	[tilespmem:s28+$0xBD00] =	vst v13  }
0x13e: {  	[tilespmem:$0xCB30] =	vst v6  }
0x13f: {  	v13 =	vld [tilespmem:s29+$0xBD00];
	_ =	sdelay $0x4  }
0x140: {  	vm10 =	vgt.s32 v13, $0x0  }
0x141: {  	v13 =	vnsel vm10, $0x0, v13  }
0x142: {  	v13 =	vmin.u32 v13, $0x60  }
0x143: {  	[tilespmem:s29+$0xBD00] =	vst v13  }
0x144: {  	[tilespmem:$0xCB40] =	vst v7  }
0x145: {  	v13 =	vld [tilespmem:s30+$0xBD00];
	_ =	sdelay $0x4  }
0x146: {  	vm11 =	vgt.s32 v13, $0x0  }
0x147: {  	v13 =	vnsel vm11, $0x0, v13  }
0x148: {  	v13 =	vmin.u32 v13, $0x60  }
0x149: {  	[tilespmem:s30+$0xBD00] =	vst v13  }
0x14a: {  	[tilespmem:$0xCB50] =	vst v8  }
0x14b: {  	v13 =	vld [tilespmem:s31+$0xBD00];
	_ =	sdelay $0x4  }
0x14c: {  	vm12 =	vgt.s32 v13, $0x0  }
0x14d: {  	v13 =	vnsel vm12, $0x0, v13  }
0x14e: {  	v13 =	vmin.u32 v13, $0x60  }
0x14f: {  	[tilespmem:s31+$0xBD00] =	vst v13  }
0x150: {  	[tilespmem:$0xCB60] =	vst v9  }
0x151: {  	v13 =	vld [tilespmem:s0+$0xBD00];
	_ =	sdelay $0x4  }
0x152: {  	vm13 =	vgt.s32 v13, $0x0  }
0x153: {  	v13 =	vnsel vm13, $0x0, v13  }
0x154: {  	v13 =	vmin.u32 v13, $0x60  }
0x155: {  	[tilespmem:s0+$0xBD00] =	vst v13  }
0x156: {  	[tilespmem:$0xCB70] =	vst v10  }
0x157: {  	v13 =	vld [tilespmem:s2+$0xBD00];
	_ =	sdelay $0x4  }
0x158: {  	vm14 =	vgt.s32 v13, $0x0  }
0x159: {  	v13 =	vnsel vm14, $0x0, v13  }
0x15a: {  	v13 =	vmin.u32 v13, $0x60  }
0x15b: {  	[tilespmem:s2+$0xBD00] =	vst v13  }
0x15c: {  	[tilespmem:$0xCB80] =	vst v11  }
0x15d: {  	v13 =	vld [tilespmem:s4+$0xBD00];
	_ =	sdelay $0x4  }
0x15e: {  	vm15 =	vgt.s32 v13, $0x0  }
0x15f: {  	v13 =	vnsel vm15, $0x0, v13  }
0x160: {  	v13 =	vmin.u32 v13, $0x60  }
0x161: {  	[tilespmem:s4+$0xBD00] =	vst v13  }
0x162: {  	[tilespmem:$0xCB90] =	vst v12  }
0x163: {  	_ =	strace $0x9000004A  }
0x164: {  	_ =	strace $0x8000004B  }
0x165: {  	[bflag:$0x0] =	sbarrier.arrive $0xFFFF  }
0x166: {  	_ =	strace $0x9000004B  }
0x167: {  	_ =	strace $0x8000004C  }
0x168: {  	s3 =	simm.s32 $0xCA00;
	s20 =	rddreg [dreg:$0x7]  }
0x169: {  	[tilespmem:s3], [sflag:$0x1] =	stream.indirect.gather [spmem:s20], $0x1, s6, s8, $0x2000b8;
	[tilespmem:$0x119B0] =	vst v63  }
0x16a: {  	_ =	swait.ge [sflag:s5], $0xD0  }
0x16b: {  	[sflag:s5] =	ssyncset.done $0x0  }
0x16c: {  	[sflag:s5] =	ssyncadd.s32 $0xFFFFFF30  }
0x16d: {  	v13 =	vld [tilespmem:$0xCAC0]  }
0x16e: {  	v14 =	vld [tilespmem:$0xCAB0]  }
0x16f: {  	v16 =	vld [tilespmem:$0xCA60]  }
0x170: {  	v17 =	vld [tilespmem:$0xCA20]  }
0x171: {  	v18 =	vld [tilespmem:$0xCA30]  }
0x172: {  	v20 =	vld [tilespmem:$0xCA00]  }
0x173: {  	v19 =	vld [tilespmem:$0xCA10];
	vm4 =	vgt.s32 v13, $0x0  }
0x174: {  	v15 =	vld [tilespmem:$0xCA40];
	vm1 =	vgt.s32 v14, $0x0;
	vm5 =	vgt.s32 v16, $0x0;
	v13 =	vnsel vm4, $0x0, v13  }
0x175: {  	v21 =	vld [tilespmem:$0xCA50];
	vm6 =	vgt.s32 v17, $0x0;
	v14 =	vnsel vm1, $0x0, v14;
	v13 =	vmin.u32 v13, $0x2  }
0x176: {  	vm7 =	vgt.s32 v18, $0x0;
	v14 =	vmin.u32 v14, $0x2;
	[tilespmem:$0xCAC0] =	vst v13;
	v13 =	vnsel vm5, $0x0, v16  }
0x177: {  	v61 =	vld [tilespmem:$0xCA80];
	vm9 =	vgt.s32 v20, $0x0;
	[tilespmem:$0xCAB0] =	vst v14;
	v14 =	vnsel vm6, $0x0, v17;
	v13 =	vmin.u32 v13, $0x2  }
0x178: {  	v62 =	vld [tilespmem:$0xCA70];
	vm8 =	vgt.s32 v19, $0x0;
	v20 =	vnsel vm9, $0x0, v20;
	v14 =	vmin.u32 v14, $0x2;
	[tilespmem:$0xCA60] =	vst v13  }
0x179: {  	vm10 =	vgt.s32 v15, $0x0;
	v20 =	vmin.u32 v20, $0x2;
	v13 =	vnsel vm8, $0x0, v19;
	[tilespmem:$0xCA20] =	vst v14;
	v14 =	vld [tilespmem:$0xCA90]  }
0x17a: {  	v63 =	vld [tilespmem:$0xCAA0];
	vm11 =	vgt.s32 v21, $0x0;
	v15 =	vnsel vm10, $0x0, v15;
	[tilespmem:$0xCA00] =	vst v20;
	v13 =	vmin.u32 v13, $0x2  }
0x17b: {  	v18 =	vnsel vm7, $0x0, v18;
	[tilespmem:$0xCA10] =	vst v13;
	v13 =	vmin.u32 v15, $0x2;
	v15 =	vnsel vm11, $0x0, v21  }
0x17c: {  	vm13 =	vgt.s32 v61, $0x0;
	[tilespmem:$0xCA40] =	vst v13;
	v13 =	vmin.u32 v15, $0x2;
	v15 =	vmin.u32 v18, $0x2  }
0x17d: {  	vm12 =	vgt.s32 v62, $0x0;
	v16 =	vnsel vm13, $0x0, v61;
	[tilespmem:$0xCA30] =	vst v15  }
0x17e: {  	v17 =	vnsel vm12, $0x0, v62;
	[tilespmem:$0xCA50] =	vst v13;
	v13 =	vmin.u32 v16, $0x2;
	vm14 =	vgt.s32 v14, $0x0  }
0x17f: {  	vm15 =	vgt.s32 v63, $0x0;
	v15 =	vmin.u32 v17, $0x2;
	[tilespmem:$0xCA80] =	vst v13;
	v14 =	vnsel vm14, $0x0, v14  }
0x180: {  	[tilespmem:$0xCA70] =	vst v15;
	v13 =	vmin.u32 v14, $0x2;
	v14 =	vnsel vm15, $0x0, v63  }
0x181: {  	[tilespmem:$0xCA90] =	vst v13;
	v13 =	vmin.u32 v14, $0x2  }
0x182: {  	s20 =	rddreg [dreg:$0x8];
	[tilespmem:$0xCAA0] =	vst v13  }
0x183: {  	[tilespmem:s14], [sflag:$0x1] =	stream.indirect.gather [spmem:s20], $0x40, s6, s8, $0x2000b8;
	[tilespmem:$0x119B0] =	vst v63  }
0x184: {  	s20 =	rddreg [dreg:$0x9]  }
0x185: {  	[tilespmem:s15], [sflag:$0x1] =	stream.indirect.gather [spmem:s20], $0x40, s3, s8, $0x2000b8;
	[tilespmem:$0x119B0] =	vst v63  }
0x186: {  	_ =	swait.ge [sflag:s5], $0x3400  }
0x187: {  	[sflag:s5] =	ssyncset.done $0x0  }
0x188: {  	[sflag:s5] =	ssyncadd.s32 $0xFFFFCC00  }
0x189: {  	_ =	swait.ge [sflag:s5], $0x3400  }
0x18a: {  	s20 =	rddreg [dreg:$0x15];
	[sflag:s5] =	ssyncset.done $0x0  }
0x18b: {  	s3 =	rddreg [dreg:$0x1a];
	[sflag:s5] =	ssyncadd.s32 $0xFFFFCC00  }
0x18c: {  	[spmem:s20] =	stream.linear.scatter [tilespmem:s3], [sflag:$0x2], $0x3400, $0x200038;
	[tilespmem:$0x119B0] =	vst v63  }
0x18d: {  	_ =	swait.ge [sflag:s7], $0x3400  }
0x18e: {  	[sflag:s7] =	ssyncset.done $0x0  }
0x18f: {  	s20 =	simm.s32 $0xCAD0;
	[sflag:s7] =	ssyncadd.s32 $0xFFFFCC00  }
0x190: {  	[spmem:s11] =	stream.indirect.scatter.add.f32 [tilespmem:s14], [sflag:$0x2], $0x40, s20, s8, $0x2000b8;
	[tilespmem:$0x119B0] =	vst v63  }
0x191: {  	_ =	swait.ge [sflag:s7], $0x3400  }
0x192: {  	[sflag:s7] =	ssyncset.done $0x0  }
0x193: {  	[sflag:s7] =	ssyncadd.s32 $0xFFFFCC00  }
0x194: {  	[spmem:s11] =	stream.indirect.scatter.add.f32 [tilespmem:s15], [sflag:$0x2], $0x40, s20, s8, $0x2000b8;
	[tilespmem:$0x119B0] =	vst v63  }
0x195: {  	s19 =	sadd.s32 $0xFFFFFFFF, s19;
	_ =	swait.ge [sflag:s7], $0x3400  }
0x196: {  	p2 =	sne.s32 s19, $0x0;
	[sflag:s7] =	ssyncset.done $0x0  }
.Ltmp1:
0x197: {  	[sflag:s7] =	ssyncadd.s32 $0xFFFFCC00;
	(pc) =	sbr.rel @p2 .LBB2_2-.Ltmp1, $4  }
0x198: {  	_ =	strace $0x9000004C  }
0x199: {  	_ =	strace $0x8000004D  }
0x19a: {  	[bflag:$0x0] =	sbarrier.arrive $0xFFFF  }
0x19b: {  	_ =	strace $0x9000004D  }
.LBB2_3:
0x19c: {  	_ =	strace $0x8000004E  }
0x19d: {  	s0 =	rddreg [dreg:$0x6]  }
0x19e: {  	[tilespmem:s16], [sflag:$0x1] =	stream.indirect.gather [spmem:s0], $0x1, s1, s16, $0x2000b8;
	[tilespmem:$0x119B0] =	vst v63  }
0x19f: {  	_ =	swait.ge [sflag:s5], $0x80  }
0x1a0: {  	[sflag:s5] =	ssyncset.done $0x0  }
0x1a1: {  	[sflag:s5] =	ssyncadd.s32 $0xFFFFFF80  }
0x1a2: {  	s30 =	rddreg [dreg:$0xa]  }
0x1a3: {  	[tilespmem:s12], [sflag:$0x1] =	stream.indirect.gather [spmem:s30], $0x40, s16, s16, $0x2000b8;
	[tilespmem:$0x119B0] =	vst v63  }
0x1a4: {  	_ =	swait.ge [sflag:s5], $0x2000  }
0x1a5: {  	[sflag:s5] =	ssyncset.done $0x0  }
0x1a6: {  	[sflag:s5] =	ssyncadd.s32 $0xFFFFE000  }
0x1a7: {  	_ =	strace $0x9000004E  }
0x1a8: {  	_ =	strace $0x8000004F  }
0x1a9: {  	s31 =	rddreg [dreg:$0x16]  }
0x1aa: {  	[hbm4b:s31+s1] =	stream.linear.scatter [tilespmem:s12], [sflag:$0x2], $0x2000, $0x200038;
	[tilespmem:$0x119B0] =	vst v63  }
0x1ab: {  	_ =	swait.ge [sflag:s7], $0x2000  }
0x1ac: {  	[sflag:s7] =	ssyncset.done $0x0  }
0x1ad: {  	[sflag:s7] =	ssyncadd.s32 $0xFFFFE000  }
0x1ae: {  	_ =	strace $0x9000004F  }
0x1af: {  	_ =	sfence.sel $0x180000  }
0x1b0: {  	[bflag:$0x0] =	sbarrier.arrive $0xFFFF  }
0x1b1: {  	_ =	strace $0x90000047  }
0x1b2: {  	[bflag:$0x2] =	sbarrier.arrive $0xFFFF  }
0x1b3: {  	s0 =	rddreg [dreg:$0xb]  }
0x1b4: {  	s0 =	sadd.s32 @!p1 $0x100000, s0  }
0x1b5: {  	[sflag:s0] =	ssyncadd.tile.s32 @!p1 $0x1;
	_ =	shalt  }
.Lfunc_end2:
_tile_overlayer_lowered:
.L_overlay_start_2:
0x1b6: {  	(tag) =	ssettag $0x2  }
0x1b7: {  	s0 =	rddreg [dreg:$0x0];
	s2 =	stileid.u32  }
0x1b8: {  	s1 =	rddreg [dreg:$0x1];
	p0 =	sne.s32 s2, $0x0  }
0x1b9: {  	s3 =	rddreg [dreg:$0x2];
	[bflag:$0x3] =	sbarrier.arrive $0xFFFF;
	s2 =	simm.s32 @!p0 $0x1C02  }
0x1ba: {  	[timem:s3], [sflag:s2] =	dma.local @!p0 [hbm:s0], s1  }
0x1bb: {  	s0 =	simm.s32 @!p0 $0x2  }
0x1bc: {  	_ =	swait.ge @!p0 [sflag:s0], s1  }
0x1bd: {  	s1 =	ssub.s32 @!p0 $0x0, s1;
	[sflag:s0] =	ssyncset.done @!p0 $0x0  }
0x1be: {  	[sflag:s0] =	ssyncadd.s32 @!p0 s1  }
0x1bf: {  	[bflag:$0x3] =	sbarrier.arrive $0xFFFF  }
0x1c0: {  	_ =	shalt  }

// kernel: kernel.7.cloned.1.call-start
scs
__scs_entry_jumppad:
0x0: {  	(pc) =	sbr.rel $0x88, $3  }
0x1: {  	(tag) =	ssettag $0x0;
	lr =	simm.s32 $0x1  }
0x2: {  	[smem:$0x3F99] =	sst lr;
	_ =	strace $0xD0000000  }
0x3: {  	_ = 	snop  }
0x4: {  	_ = 	snop  }
0x5: {  	_ = 	snop  }
0x6: {  	_ = 	snop  }
0x7: {  	_ = 	snop  }
__scs_overlays_trampoline_lowered:
0x8: {  	[smem:$0x3FA8] =	sst s0  }
0x9: {  	[smem:$0x3FA9] =	sst s1  }
0xa: {  	[smem:$0x3FAA] =	sst s2  }
0xb: {  	[smem:$0x3FAB] =	sst s3  }
0xc: {  	[smem:$0x3FAC] =	sst s4  }
0xd: {  	[smem:$0x3FAD] =	sst s5  }
0xe: {  	[smem:$0x3FAE] =	sst s6  }
0xf: {  	[smem:$0x3FAF] =	sst s7  }
0x10: {  	[smem:$0x3FB0] =	sst s8  }
0x11: {  	[smem:$0x3FB1] =	sst s9;
	s0 =	simm.s32 @!p0 $0x0  }
0x12: {  	s1 =	sld [smem:$0x3F97];
	s0 =	simm.s32 @p0 $0x1  }
0x13: {  	[smem:$0x3FB2] =	sst s0;
	s0 =	simm.s32 @!p1 $0x0  }
0x14: {  	s2 =	sld [smem:$0x3F96];
	s0 =	simm.s32 @p1 $0x1  }
0x15: {  	[smem:$0x3FB3] =	sst s0;
	s0 =	simm.s32 @!p2 $0x0  }
0x16: {  	s3 =	sld [smem:$0x3FDB];
	s0 =	simm.s32 @p2 $0x1  }
0x17: {  	s4 =	simm.s32 $0x1BF5;
	[smem:$0x3FB5] =	sst s0  }
0x18: {  	s0 =	sld [smem:$0x3F98];
	_ =	swait.ge [sflag:s4], $0x0  }
0x19: {  	s7 =	sld [smem:$0x3F99]  }
0x1a: {  	s8 =	sadd.s32 $0xFFFFE003, lr  }
0x1b: {  	s9 =	sadd.s32 $0xFFFFFEF7, lr;
	s5 =	simm.s32 $0xFFFFFFFF;
	p2 =	slt.u32 s8, $0xFFFFF086  }
0x1c: {  	p1 =	slt.u32 s9, $0xF7A;
	s5 =	simm.s32 @!p2 $0x0  }
0x1d: {  	s5 =	simm.s32 @p1 $0x1;
	p0 =	seq.s32 s7, s2  }
0x1e: {  	s7 =	smul.u32 @!p0 $0xF7A, s2;
	p2 =	seq.s32 @!p0 s5, $0x0  }
0x1f: {  	s9 =	smul.u32 $0xF7A, s1;
	s8 =	simm.s32 @!p0 $0x1BF5;
	p2 =	por !p2, p0  }
0x20: {  	[sflag:s8] =	ssyncset.s32 @!p0 $0xFFFFF086;
	s6 =	sadd.s32 @!p0 s3, s7;
	s7 =	simm.s32 @!p0 $0x108  }
0x21: {  	s3 =	sadd.s32 s3, s9;
	s6 =	sadd.s32 @!p0 $0x88, s6;
	s7 =	simm.s32 @p2 $0x1082  }
0x22: {  	[simem:s7], [sflag:s8] =	dma.local @!p0 [hbm:s6], $0xF7A  }
0x23: {  	s9 =	sor.u32 $0xD0000000, s2;
	s6 =	simm.s32 $0x108;
	_ =	swait.ge @!p0 [sflag:s8], $0x0  }
0x24: {  	s3 =	sadd.s32 $0x88, s3;
	s6 =	simm.s32 @!p1 $0x1082;
	[sflag:s4] =	ssyncset.s32 $0xFFFFF086  }
0x25: {  	[simem:s6], [sflag:s4] =	dma.local [hbm:s3], $0xF7A  }
0x26: {  	[smem:$0x3F99] =	sst s1;
	(tag) =	ssettag s2;
	_ =	strace s9  }
0x27: {  	s1 =	sld [smem:$0x3FA9]  }
0x28: {  	s2 =	sld [smem:$0x3FAA]  }
0x29: {  	s4 =	sld [smem:$0x3FAC]  }
0x2a: {  	p0 =	seq.s32 s5, $0x0;
	s5 =	sld [smem:$0x3FAD]  }
0x2b: {  	s6 =	sld [smem:$0x3FAE]  }
0x2c: {  	s7 =	sld [smem:$0x3FAF]  }
0x2d: {  	s3 =	simm.s32 $0x108;
	s8 =	sld [smem:$0x3FB0]  }
0x2e: {  	s3 =	simm.s32 @!p0 $0x1082;
	s9 =	sld [smem:$0x3FB1]  }
0x2f: {  	lr =	sadd.s32 s0, s3;
	s0 =	sld [smem:$0x3FA8]  }
0x30: {  	s3 =	sld [smem:$0x3FAB]  }
0x31: {  	[smem:$0x3FB4] =	sst s10  }
0x32: {  	s10 =	sld [smem:$0x3FB2];
	_ =	sdelay $0x3  }
0x33: {  	p0 =	seq.s32 s10, $0x1;
	s10 =	sld [smem:$0x3FB4];
	_ =	sdelay $0x3  }
0x34: {  	[smem:$0x3FB4] =	sst s10  }
0x35: {  	s10 =	sld [smem:$0x3FB3];
	_ =	sdelay $0x3  }
0x36: {  	p1 =	seq.s32 s10, $0x1;
	s10 =	sld [smem:$0x3FB4];
	_ =	sdelay $0x3  }
0x37: {  	[smem:$0x3FB4] =	sst s10  }
0x38: {  	s10 =	sld [smem:$0x3FB5]  }
0x39: {  	_ = 	snop;
	(pc) =	sbr.ind lr, $3  }
0x3a: {  	_ = 	snop  }
0x3b: {  	_ = 	snop  }
0x3c: {  	p2 =	seq.s32 s10, $0x1;
	s10 =	sld [smem:$0x3FB4]  }
0x3d: {  	_ =	shalt  }
0x3e: {  	_ =	shalt  }
0x3f: {  	_ =	shalt  }
0x40: {  	_ =	shalt  }
0x41: {  	_ =	shalt  }
0x42: {  	_ =	shalt  }
0x43: {  	_ =	shalt  }
0x44: {  	_ =	shalt  }
0x45: {  	_ =	shalt  }
0x46: {  	_ =	shalt  }
0x47: {  	_ =	shalt  }
0x48: {  	_ =	shalt  }
0x49: {  	_ =	shalt  }
0x4a: {  	_ =	shalt  }
0x4b: {  	_ =	shalt  }
0x4c: {  	_ =	shalt  }
0x4d: {  	_ =	shalt  }
0x4e: {  	_ =	shalt  }
0x4f: {  	_ =	shalt  }
0x50: {  	_ =	shalt  }
0x51: {  	_ =	shalt  }
0x52: {  	_ =	shalt  }
0x53: {  	_ =	shalt  }
0x54: {  	_ =	shalt  }
0x55: {  	_ =	shalt  }
0x56: {  	_ =	shalt  }
0x57: {  	_ =	shalt  }
0x58: {  	_ =	shalt  }
0x59: {  	_ =	shalt  }
0x5a: {  	_ =	shalt  }
0x5b: {  	_ =	shalt  }
0x5c: {  	_ =	shalt  }
0x5d: {  	_ =	shalt  }
0x5e: {  	_ =	shalt  }
0x5f: {  	_ =	shalt  }
0x60: {  	_ =	shalt  }
0x61: {  	_ =	shalt  }
0x62: {  	_ =	shalt  }
0x63: {  	_ =	shalt  }
0x64: {  	_ =	shalt  }
0x65: {  	_ =	shalt  }
0x66: {  	_ =	shalt  }
0x67: {  	_ =	shalt  }
0x68: {  	_ =	shalt  }
0x69: {  	_ =	shalt  }
0x6a: {  	_ =	shalt  }
0x6b: {  	_ =	shalt  }
0x6c: {  	_ =	shalt  }
0x6d: {  	_ =	shalt  }
0x6e: {  	_ =	shalt  }
0x6f: {  	_ =	shalt  }
0x70: {  	_ =	shalt  }
0x71: {  	_ =	shalt  }
0x72: {  	_ =	shalt  }
0x73: {  	_ =	shalt  }
0x74: {  	_ =	shalt  }
0x75: {  	_ =	shalt  }
0x76: {  	_ =	shalt  }
0x77: {  	_ =	shalt  }
0x78: {  	_ =	shalt  }
0x79: {  	_ =	shalt  }
0x7a: {  	_ =	shalt  }
0x7b: {  	_ =	shalt  }
0x7c: {  	_ =	shalt  }
0x7d: {  	_ =	shalt  }
0x7e: {  	_ =	shalt  }
0x7f: {  	_ =	shalt  }
0x80: {  	_ =	shalt  }
0x81: {  	_ =	shalt  }
0x82: {  	_ =	shalt  }
0x83: {  	_ =	shalt  }
0x84: {  	_ =	shalt  }
0x85: {  	_ =	shalt  }
0x86: {  	_ =	shalt  }
0x87: {  	_ =	shalt  }
.Lfunc_end0:
.L_simem_size_0:
called_computation.1_lowered:
.L_overlay_start_0:
0x88: {  	s2 =	sld [smem:$0x3FD9]  }
0x89: {  	s3 =	sld [smem:$0x3FFE];
	_ =	sdelay $0x1  }
0x8a: {  	s1 =	srdreg.scid  }
0x8b: {  	s0 =	sand.u32 $0x1, s1  }
0x8c: {  	s17 =	sshll.u32 s0, $0xA;
	s2 =	sadd.s32 s3, s2  }
0x8d: {  	s2 =	sadd.s32 s2, s17  }
0x8e: {  	[smem:$0x3FC0] =	sst s2  }
0x8f: {  	_ = 	snop  }
0x90: {  	s2 =	sld [smem:$0x3FC9]  }
0x91: {  	s18 =	sld [smem:$0x3FD0];
	(tm) =	ssettm $0x1  }
0x92: {  	s4 =	sld [smem:$0x3FFB];
	_ =	sdelay $0x3  }
0x93: {  	_ =	strace s4  }
0x94: {  	s4 =	sld [smem:$0x3FFC];
	_ =	sdelay $0x3  }
0x95: {  	_ =	strace s4  }
0x96: {  	s4 =	sld [smem:$0x3FFD];
	_ =	sdelay $0x3  }
0x97: {  	_ =	strace s4  }
0x98: {  	_ =	strace $0x8FFFFFFF  }
0x99: {  	s19 =	sld [smem:$0x3FDB];
	_ =	sdelay $0x1  }
0x9a: {  	s5 =	simm.s32 $_scs_section_size  }
0x9b: {  	s6 =	simm.s32 $_size__tile_overlayer_lowered;
	s7 =	simm.s32 $_tile_overlayer_lowered  }
0x9c: {  	s22 =	simm.s32 $0x1BFF;
	s21 =	sshll.u32 s7, $0x1;
	s4 =	sadd.s32 s5, s19  }
0x9d: {  	s8 =	simm.s32 $0x0;
	s20 =	sshll.u32 s6, $0x1;
	s6 =	sadd.s32 s21, s4  }
0x9e: {  	[timem:s8], [sflag:s22] =	dma.local [hbm:s6], s20  }
0x9f: {  	_ =	swait.ge [sflag:s22], s20  }
0xa0: {  	s5 =	ssub.s32 $0x0, s20;
	[sflag:s22] =	ssyncset.done $0x0  }
0xa1: {  	[sflag:s22] =	ssyncadd.s32 s5;
	_ =	sdelay $0x1  }
0xa2: {  	s23 =	simm.s32 $0x1B8B  }
0xa3: {  	_ =	swait.ge [sflag:s23], $0x1  }
0xa4: {  	[sflag:s23] =	ssyncset.done $0x0  }
0xa5: {  	s25 =	simm.s32 $0x1B8E;
	s24 =	sld [smem:$0x3FFE];
	[sflag:s23] =	ssyncadd.s32 $0xFFFFFFFF  }
0xa6: {  	s26 =	simm.s32 $execute0_lowered;
	[smem:$0x3FD2] =	sst s25  }
0xa7: {  	s6 =	sshll.u32 s26, $0x1;
	_ =	strace $0x80000051;
	[dreg:$0x1] =	wrdreg $0xFFFFFFFF  }
0xa8: {  	s28 =	simm.s32 $_size_execute0_lowered;
	s4 =	sadd.s32 s4, s6;
	[dreg:$0x0] =	wrdreg $0x0  }
0xa9: {  	s6 =	sshll.u32 s28, $0x1;
	[dreg:$0x2] =	wrdreg s4  }
0xaa: {  	[dreg:$0x3] =	wrdreg s6  }
0xab: {  	[dreg:$0x4] =	wrdreg $0xC0  }
0xac: {  	_ =	task [dreg:s8], $0x5FFFF  }
0xad: {  	[dreg:$0x1] =	wrdreg $0xFFFFFFFF  }
0xae: {  	[dreg:$0x0] =	wrdreg $0x60  }
0xaf: {  	[dreg:$0x2] =	wrdreg s2  }
0xb0: {  	[dreg:$0x3] =	wrdreg s24  }
0xb1: {  	[dreg:$0x4] =	wrdreg s18  }
0xb2: {  	[dreg:$0x5] =	wrdreg $0x9  }
0xb3: {  	_ =	task.clear_ibuf [dreg:s8], $0x6FFFF;
	_ =	strace $0x90000051  }
0xb4: {  	s29 =	simm.s32 $0x9;
	_ =	strace $0x80000057  }
0xb5: {  	_ =	swait.ge [sflag:s29], $0x1  }
0xb6: {  	[sflag:s29] =	ssyncadd.s32 $0xFFFFFFFF  }
0xb7: {  	_ =	strace $0x90000057  }
0xb8: {  	_ =	sfence  }
0xb9: {  	s30 =	sld [smem:$0x0];
	_ =	sdelay $0x2  }
0xba: {  	s31 =	sshll.u32 s1, $0xD;
	s1 =	sshrl.u32 s1, $0x2  }
0xbb: {  	s3 =	sand.u32 $0x4000, s31;
	s1 =	sadd.s32 s1, s30  }
0xbc: {  	s0 =	sor.u32 s3, s0;
	s1 =	sshll.u32 s1, $0x11  }
0xbd: {  	s0 =	sor.u32 s1, s0  }
0xbe: {  	s0 =	sadd.s32 $0x8F2B, s0  }
0xbf: {  	[sflag:s0] =	ssyncadd.remote.s32 $0x1  }
0xc0: {  	_ =	sfence.sel $0xFFFF  }
0xc1: {  	[dreg:$0x0] =	wrdreg $0xFFFFFFFF;
	(pc) =	sbr.abs _section_cstart, $3  }
0xc2: {  	[dreg:$0x1] =	wrdreg $0xFFFFFFFF  }
0xc3: {  	_ =	task.clear_ibuf [dreg:s8], $0x2FFFF;
	_ =	strace $0x9FFFFFFF  }
0xc4: {  	(tm) =	ssettm $0x7FFFFFFF  }
0xc5: {  	_ =	shalt  }
tec
execute0_lowered:
.L_overlay_start_1:
0x0: {  	(tag) =	ssettag $0x1  }
0x1: {  	s4 =	rddreg [dreg:$0x0]  }
0x2: {  	s5 =	rddreg [dreg:$0x1]  }
0x3: {  	s6 =	rddreg [dreg:$0x2]  }
0x4: {  	s0 =	rddreg [dreg:$0x3];
	s3 =	srdreg.scid  }
0x5: {  	s2 =	simm.s32 $0x0;
	s1 =	stileid.u32;
	s11 =	simm.s32 $0x1  }
0x6: {  	s12 =	simm.s32 $0x0;
	s3 =	sand.u32 $0x1, s3;
	[smem:$0x7FF] =	sst s2  }
0x7: {  	s7 =	sshll.u32 s1, $0x8;
	s8 =	sshll.u32 s3, $0x7;
	s31 =	ssub.s32 $0x2, s3  }
0x8: {  	_ =	strace $0x80000052;
	s7 =	sor.u32 s8, s7;
	s10 =	sshrl.u32 s31, $0x1  }
0x9: {  	s3 =	sadd.s32 $0x18F800, s5;
	s9 =	sshll.u32 s7, $0x3;
	s8 =	ssub.s32 s31, s10  }
0xa: {  	s7 =	sshrl.u32 s7, $0x3;
	s10 =	simm.s32 $0x4080;
	s5 =	sadd.s32 s9, s5  }
0xb: {  	s4 =	sadd.s32 s4, s7;
	s6 =	sadd.s32 s6, s9;
	s7 =	smax.u32 s8, $0x1  }
0xc: {  	s8 =	simm.s32 $0x2;
	s9 =	simm.s32 $0x80;
	s5 =	sadd.s32 $0xE00, s5  }
.LBB2_1:
0xd: {  	_ =	strace $0x80000053  }
0xe: {  	[tilespmem:s2], [sflag:$0x2] =	stream.linear.gather [hbm4b:s4+s2], $0x80, $0x200038;
	[tilespmem:$0x6080] =	vst v63  }
0xf: {  	_ =	swait.ge [sflag:s8], $0x80  }
0x10: {  	[sflag:s8] =	ssyncset.done $0x0  }
0x11: {  	[sflag:s8] =	ssyncadd.s32 $0xFFFFFF80  }
0x12: {  	_ =	strace $0x90000053  }
0x13: {  	_ =	strace $0x80000054  }
0x14: {  	[tilespmem:s9], [sflag:$0x1] =	stream.indirect.gather [hbm4b:s3+s9], $0x80, s2, s9, $0x2000b8;
	[tilespmem:$0x6080] =	vst v63  }
0x15: {  	_ = 	snop  }
0x16: {  	[tilespmem:s10], [sflag:$0x2] =	stream.linear.gather [hbm4b:s5+s2], $0x2000, $0x200038;
	[tilespmem:$0x6080] =	vst v63  }
0x17: {  	_ =	swait.ge [sflag:s8], $0x2000  }
0x18: {  	[sflag:s8] =	ssyncset.done $0x0  }
0x19: {  	[sflag:s8] =	ssyncadd.s32 $0xFFFFE000  }
0x1a: {  	_ =	swait.ge [sflag:s11], $0x4000  }
0x1b: {  	[sflag:s11] =	ssyncset.done $0x0  }
0x1c: {  	[sflag:s11] =	ssyncadd.s32 $0xFFFFC000  }
0x1d: {  	_ =	strace $0x90000054  }
0x1e: {  	s13 =	simm.s32 $0x40C0;
	_ =	strace $0x80000055  }
0x1f: {  	s14 =	simm.s32 $0x100;
	v0 =	vld [tilespmem:s13+$0xFFFFFFC0]  }
0x20: {  	v1 =	vld [tilespmem:s14+$0xFFFFFF80];
	_ =	sdelay $0x4  }
0x21: {  	v0 =	vadd.f32 v1, v0;
	_ =	sdelay $0x1  }
0x22: {  	[tilespmem:s13+$0xFFFFFFC0] =	vst v0;
	v0 =	vld [tilespmem:s13+$0xFFFFFFD0]  }
0x23: {  	v1 =	vld [tilespmem:s14+$0xFFFFFF90];
	_ =	sdelay $0x4  }
0x24: {  	v0 =	vadd.f32 v1, v0;
	_ =	sdelay $0x1  }
0x25: {  	[tilespmem:s13+$0xFFFFFFD0] =	vst v0;
	v0 =	vld [tilespmem:s13+$0xFFFFFFE0]  }
0x26: {  	v1 =	vld [tilespmem:s14+$0xFFFFFFA0];
	_ =	sdelay $0x4  }
0x27: {  	v0 =	vadd.f32 v1, v0;
	_ =	sdelay $0x1  }
0x28: {  	[tilespmem:s13+$0xFFFFFFE0] =	vst v0;
	v0 =	vld [tilespmem:s13+$0xFFFFFFF0]  }
0x29: {  	v1 =	vld [tilespmem:s14+$0xFFFFFFB0];
	_ =	sdelay $0x4  }
0x2a: {  	v0 =	vadd.f32 v1, v0;
	_ =	sdelay $0x1  }
0x2b: {  	[tilespmem:s13+$0xFFFFFFF0] =	vst v0;
	v0 =	vld [tilespmem:s13+$0x0]  }
0x2c: {  	v1 =	vld [tilespmem:s14+$0x0];
	_ =	sdelay $0x4  }
0x2d: {  	v0 =	vadd.f32 v1, v0;
	_ =	sdelay $0x1  }
0x2e: {  	[tilespmem:s13+$0x0] =	vst v0;
	v0 =	vld [tilespmem:s13+$0x10]  }
0x2f: {  	v1 =	vld [tilespmem:s14+$0x10];
	_ =	sdelay $0x4  }
0x30: {  	v0 =	vadd.f32 v1, v0;
	_ =	sdelay $0x1  }
0x31: {  	[tilespmem:s13+$0x10] =	vst v0;
	v0 =	vld [tilespmem:s13+$0x20]  }
0x32: {  	v1 =	vld [tilespmem:s14+$0x20];
	_ =	sdelay $0x4  }
0x33: {  	v0 =	vadd.f32 v1, v0;
	_ =	sdelay $0x1  }
0x34: {  	[tilespmem:s13+$0x20] =	vst v0;
	v0 =	vld [tilespmem:s13+$0x30]  }
0x35: {  	v1 =	vld [tilespmem:s14+$0x30];
	_ =	sdelay $0x4  }
0x36: {  	v0 =	vadd.f32 v1, v0  }
0x37: {  	s15 =	simm.s32 $0x0;
	s16 =	simm.s32 $0x4140  }
.LBB2_2:
0x38: {  	v1 =	vld [tilespmem:s16+$0xFFFFFFC0];
	[tilespmem:s13+$0x30] =	vst v0;
	s14 =	sadd.s32 $0x100, s14;
	s13 =	smov.u32 s16  }
0x39: {  	s15 =	sadd.s32 $0x2, s15;
	v0 =	vld [tilespmem:s14+$0xFFFFFF80]  }
0x3a: {  	p0 =	slt.u32 s15, $0x7E;
	_ =	sdelay $0x3  }
0x3b: {  	v0 =	vadd.f32 v0, v1;
	_ =	sdelay $0x1  }
0x3c: {  	[tilespmem:s16+$0xFFFFFFC0] =	vst v0;
	v0 =	vld [tilespmem:s16+$0xFFFFFFD0]  }
0x3d: {  	v1 =	vld [tilespmem:s14+$0xFFFFFF90];
	_ =	sdelay $0x4  }
0x3e: {  	v0 =	vadd.f32 v1, v0;
	_ =	sdelay $0x1  }
0x3f: {  	[tilespmem:s16+$0xFFFFFFD0] =	vst v0;
	v0 =	vld [tilespmem:s16+$0xFFFFFFE0]  }
0x40: {  	v1 =	vld [tilespmem:s14+$0xFFFFFFA0];
	_ =	sdelay $0x4  }
0x41: {  	v0 =	vadd.f32 v1, v0;
	_ =	sdelay $0x1  }
0x42: {  	[tilespmem:s16+$0xFFFFFFE0] =	vst v0;
	v0 =	vld [tilespmem:s16+$0xFFFFFFF0]  }
0x43: {  	v1 =	vld [tilespmem:s14+$0xFFFFFFB0];
	_ =	sdelay $0x4  }
0x44: {  	v0 =	vadd.f32 v1, v0;
	_ =	sdelay $0x1  }
0x45: {  	[tilespmem:s16+$0xFFFFFFF0] =	vst v0;
	v0 =	vld [tilespmem:s16+$0x0]  }
0x46: {  	v1 =	vld [tilespmem:s14+$0x0];
	_ =	sdelay $0x4  }
0x47: {  	v0 =	vadd.f32 v1, v0;
	_ =	sdelay $0x1  }
0x48: {  	[tilespmem:s16+$0x0] =	vst v0;
	v0 =	vld [tilespmem:s16+$0x10]  }
0x49: {  	v1 =	vld [tilespmem:s14+$0x10];
	_ =	sdelay $0x4  }
0x4a: {  	v0 =	vadd.f32 v1, v0;
	_ =	sdelay $0x1  }
0x4b: {  	[tilespmem:s16+$0x10] =	vst v0;
	v0 =	vld [tilespmem:s16+$0x20]  }
0x4c: {  	v1 =	vld [tilespmem:s14+$0x20];
	_ =	sdelay $0x4  }
0x4d: {  	v0 =	vadd.f32 v1, v0;
	_ =	sdelay $0x1  }
0x4e: {  	[tilespmem:s16+$0x20] =	vst v0;
	v0 =	vld [tilespmem:s16+$0x30]  }
0x4f: {  	v1 =	vld [tilespmem:s14+$0x30];
	_ =	sdelay $0x1  }
.Ltmp0:
0x50: {  	(pc) =	sbr.rel @p0 .LBB2_2-.Ltmp0, $3  }
0x51: {  	_ =	sdelay $0x1  }
0x52: {  	v0 =	vadd.f32 v1, v0  }
0x53: {  	s16 =	sadd.s32 $0x80, s16  }
0x54: {  	[tilespmem:s13+$0x30] =	vst v0  }
0x55: {  	s12 =	sadd.s32 $0x1, s12;
	_ =	strace $0x90000055  }
0x56: {  	p0 =	sne.s32 s12, s7;
	_ =	strace $0x80000056  }
0x57: {  	[hbm4b:s6+s2] =	stream.linear.scatter [tilespmem:s10], [sflag:$0x2], $0x2000, $0x200038;
	[tilespmem:$0x6080] =	vst v63  }
.Ltmp1:
0x58: {  	_ = 	snop;
	(pc) =	sbr.rel @p0 .LBB2_1-.Ltmp1, $4  }
0x59: {  	_ =	swait.ge [sflag:s8], $0x2000  }
0x5a: {  	[sflag:s8] =	ssyncset.done $0x0  }
0x5b: {  	[sflag:s8] =	ssyncadd.s32 $0xFFFFE000  }
0x5c: {  	_ =	strace $0x90000056  }
0x5d: {  	_ =	sfence.sel $0x180000  }
0x5e: {  	[bflag:$0x0] =	sbarrier.arrive $0xFFFF  }
0x5f: {  	p0 =	sne.s32 s1, $0x0;
	_ =	strace $0x90000052  }
0x60: {  	s0 =	sadd.s32 @!p0 $0x100000, s0;
	[bflag:$0x2] =	sbarrier.arrive $0xFFFF  }
0x61: {  	[sflag:s0] =	ssyncadd.tile.s32 @!p0 $0x1;
	_ =	shalt  }
.Lfunc_end2:
_tile_overlayer_lowered:
.L_overlay_start_2:
0x62: {  	(tag) =	ssettag $0x2  }
0x63: {  	s0 =	rddreg [dreg:$0x0];
	s2 =	stileid.u32  }
0x64: {  	s1 =	rddreg [dreg:$0x1];
	p0 =	sne.s32 s2, $0x0  }
0x65: {  	s3 =	rddreg [dreg:$0x2];
	[bflag:$0x3] =	sbarrier.arrive $0xFFFF;
	s2 =	simm.s32 @!p0 $0x1C02  }
0x66: {  	[timem:s3], [sflag:s2] =	dma.local @!p0 [hbm:s0], s1  }
0x67: {  	s0 =	simm.s32 @!p0 $0x2  }
0x68: {  	_ =	swait.ge @!p0 [sflag:s0], s1  }
0x69: {  	s1 =	ssub.s32 @!p0 $0x0, s1;
	[sflag:s0] =	ssyncset.done @!p0 $0x0  }
0x6a: {  	[sflag:s0] =	ssyncadd.s32 @!p0 s1  }
0x6b: {  	[bflag:$0x3] =	sbarrier.arrive $0xFFFF  }
0x6c: {  	_ =	shalt  }

</sc_bundles>
